<compile_context>
chip_gen: v7x
topology: tpu7x:2x2x1
jax: 0.10.2.dev20260603
libtpu: 0.0.44.dev20260713+nightly
codegen_flags: <defaults>
</compile_context>

<pallas_src>
import functools

import jax
import jax.numpy as jnp
from jax import lax
from jax.experimental import pallas as pl
from jax.experimental.pallas import tpu as pltpu
from jax.experimental.pallas import tpu_sc as plsc

N_NODES = 10000
N_EDGES = 320000
HIDDEN = 256

NC = 2
NS = 16
NW = NC * NS
L = 16

NPAD = 10240
EPT = N_EDGES // NW
SLOT = NPAD // NS
STAIL = N_NODES - (NS - 1) * SLOT
UE = 5
UZ = 8

R_TC = 2048
NB = NPAD // R_TC

_mesh = plsc.VectorSubcoreMesh(core_axis_name="c", subcore_axis_name="s")
_sc_params = pltpu.CompilerParams(
    needs_layout_passes=False, use_tc_tiling_on_sc=False)


def _rsqrt16(x):
    i = plsc.bitcast(x, jnp.int32)
    i = jnp.int32(0x5F3759DF) - (i >> 1)
    y = plsc.bitcast(i, jnp.float32)
    for _ in range(3):
        y = y * (1.5 - 0.5 * x * y * y)
    return y


@functools.partial(
    pl.kernel,
    compiler_params=_sc_params,
    out_type=(
        jax.ShapeDtypeStruct((NPAD,), jnp.float32),
        jax.ShapeDtypeStruct((NPAD,), jnp.float32),
        jax.ShapeDtypeStruct((NPAD,), jnp.float32),
        jax.ShapeDtypeStruct((NPAD,), jnp.float32),
    ),
    mesh=_mesh,
    scratch_types=[
        pltpu.VMEM((2 * EPT,), jnp.int32),
        pltpu.VMEM((EPT,), jnp.int32),
        pltpu.VMEM((NPAD,), jnp.float32),
        pltpu.VMEM((NPAD,), jnp.float32),
        pltpu.VMEM((NS, SLOT), jnp.float32),
        pltpu.VMEM((SLOT,), jnp.float32),
        pltpu.VMEM((SLOT,), jnp.float32),
        pltpu.VMEM((SLOT,), jnp.float32),
        pltpu.VMEM_SHARED((NS, NPAD), jnp.float32),
        pltpu.VMEM_SHARED((NPAD,), jnp.float32),
        pltpu.SemaphoreType.DMA,
        pltpu.SemaphoreType.DMA,
        pltpu.SemaphoreType.DMA,
    ],
)
def _sc_kernel(ei_hbm, s_hbm, g0_hbm, g1_hbm, dinv_hbm, t_hbm,
               idx_d, srcv, acc, tfull, red, schunk, dchunk, tchunk,
               slots, t_sh, sem_a, sem_b, sem_c):
    c = lax.axis_index("c")
    s = lax.axis_index("s")
    base = s * SLOT
    w = c * NS + s
    zeros = jnp.zeros((L,), jnp.float32)
    ones = jnp.ones((L,), jnp.float32)

    def zero_acc():
        def zbody(j, _):
            for u in range(UZ):
                acc[pl.ds((j * UZ + u) * L, L)] = zeros
            return 0

        lax.fori_loop(0, NPAD // (L * UZ), zbody, 0)

    cp_d1 = pltpu.async_copy(ei_hbm.at[1, pl.ds(s * EPT, EPT)],
                             idx_d.at[pl.ds(0, EPT)], sem_a)
    cp_d2 = pltpu.async_copy(ei_hbm.at[1, pl.ds((s + NS) * EPT, EPT)],
                             idx_d.at[pl.ds(EPT, EPT)], sem_a)
    cp_src = pltpu.async_copy(ei_hbm.at[0, pl.ds(w * EPT, EPT)], srcv, sem_b)

    @pl.when(s < NS - 1)
    def _():
        pltpu.sync_copy(s_hbm.at[pl.ds(base, SLOT)], schunk)

    @pl.when(s == NS - 1)
    def _():
        for j in range(STAIL // L, SLOT // L):
            schunk[pl.ds(j * L, L)] = zeros
        pltpu.sync_copy(s_hbm.at[pl.ds(base, STAIL)],
                        schunk.at[pl.ds(0, STAIL)])

    zero_acc()
    cp_d1.wait()
    cp_d2.wait()

    def h1body(i, _):
        sls = [pl.ds((i * (2 * UE) + u) * L, L) for u in range(2 * UE)]
        iv = [idx_d[sl] for sl in sls]
        for v in iv:
            plsc.addupdate_scatter(acc, [v], ones)
        return 0

    lax.fori_loop(0, 2 * EPT // (L * 2 * UE), h1body, 0)

    pltpu.sync_copy(acc, slots.at[s])
    plsc.subcore_barrier()
    pltpu.sync_copy(slots.at[:, pl.ds(base, SLOT)], red)

    def nbody(j, _):
        sl = pl.ds(j * L, L)
        deg = jnp.ones((L,), jnp.float32)
        for k in range(NS):
            deg = deg + red[k, sl]
        dinv = _rsqrt16(deg)
        dchunk[sl] = dinv
        tchunk[sl] = dinv * schunk[sl]
        return 0

    lax.fori_loop(0, SLOT // L, nbody, 0)
    pltpu.sync_copy(tchunk, t_sh.at[pl.ds(base, SLOT)])

    @pl.when(c == 0)
    def _():
        pltpu.sync_copy(dchunk, dinv_hbm.at[pl.ds(base, SLOT)])
        pltpu.sync_copy(tchunk, t_hbm.at[pl.ds(base, SLOT)])

    plsc.subcore_barrier()

    cp_t = pltpu.async_copy(t_sh, tfull, sem_c)
    zero_acc()
    cp_t.wait()
    cp_src.wait()
    ec = c * EPT

    def ebody(i, _):
        sls = [pl.ds((i * UE + u) * L, L) for u in range(UE)]
        sv = [srcv[sl] for sl in sls]
        dv = [idx_d[pl.ds(ec + (i * UE + u) * L, L)] for u in range(UE)]
        gv = [plsc.load_gather(tfull, [x]) for x in sv]
        for u in range(UE):
            plsc.addupdate_scatter(acc, [dv[u]], gv[u])
        return 0

    lax.fori_loop(0, EPT // (L * UE), ebody, 0)

    pltpu.sync_copy(acc, slots.at[s])
    plsc.subcore_barrier()
    pltpu.sync_copy(slots.at[:, pl.ds(base, SLOT)], red)

    def gbody(j, _):
        sl = pl.ds(j * L, L)
        tot = jnp.zeros((L,), jnp.float32)
        for k in range(NS):
            tot = tot + red[k, sl]
        tchunk[sl] = tot
        return 0

    lax.fori_loop(0, SLOT // L, gbody, 0)

    @pl.when(c == 0)
    def _():
        pltpu.sync_copy(tchunk, g0_hbm.at[pl.ds(base, SLOT)])

    @pl.when(c == 1)
    def _():
        pltpu.sync_copy(tchunk, g1_hbm.at[pl.ds(base, SLOT)])


def _proj_body(g0_ref, g1_ref, t_ref, dinv_ref, w1_ref, b1_ref, w2t_ref,
               b2_ref, x_ref):
    y = dinv_ref[...] * (g0_ref[...] + g1_ref[...] + t_ref[...])
    outT = (w1_ref[...] * y + b1_ref[...]).astype(jnp.bfloat16)
    xT = jnp.dot(w2t_ref[...], outT,
                 preferred_element_type=jnp.float32)
    x_ref[...] = xT + b2_ref[...]


_proj_tc = pl.pallas_call(
    _proj_body,
    grid=(NB,),
    in_specs=[
        pl.BlockSpec((R_TC,), lambda i: (i,)),
        pl.BlockSpec((R_TC,), lambda i: (i,)),
        pl.BlockSpec((R_TC,), lambda i: (i,)),
        pl.BlockSpec((R_TC,), lambda i: (i,)),
        pl.BlockSpec((HIDDEN, 1), lambda i: (0, 0)),
        pl.BlockSpec((HIDDEN, 1), lambda i: (0, 0)),
        pl.BlockSpec((1, HIDDEN), lambda i: (0, 0)),
        pl.BlockSpec((1, 1), lambda i: (0, 0)),
    ],
    out_specs=pl.BlockSpec((1, R_TC), lambda i: (0, i)),
    out_shape=jax.ShapeDtypeStruct((1, NPAD), jnp.float32),
)


def kernel(state, edge_index, edge_attr, W1, b1, W2, b2):
    g0, g1, dinv, t = _sc_kernel(edge_index, state)
    x2 = _proj_tc(g0, g1, t, dinv,
                  W1.reshape(HIDDEN, 1), b1.reshape(HIDDEN, 1),
                  W2.reshape(1, HIDDEN).astype(jnp.bfloat16),
                  b2.reshape(1, 1))
    return x2.reshape(NPAD)[:N_NODES].reshape(N_NODES, 1)

# --- scband reference (transcript-rebuilt; emitter-appended) ---
"""Pipeline reference for scband-critic-gcn-601295422145 (READ-ONLY COPY).

The authoritative reference and input builder live on the scoring server;
editing this copy changes nothing except your own understanding.
"""

import jax, jax.numpy as jnp
import numpy as np

N_NODES = 10000
N_EDGES = 320000
D_EDGE = 4
HIDDEN = 256


def setup_inputs(seed: int = 0) -> dict:
    key = jax.random.key(seed)
    k1, k2, k3, k4, k5, k6 = jax.random.split(key, 6)
    state = jax.random.normal(k1, (N_NODES,), dtype=jnp.float32)
    edge_index = jax.random.randint(k2, (2, N_EDGES), 0, N_NODES, dtype=jnp.int32)
    edge_attr = jax.random.normal(k3, (N_EDGES, D_EDGE), dtype=jnp.float32)
    W1 = jax.random.normal(k4, (1, HIDDEN), dtype=jnp.float32) * 0.1
    b1 = jnp.zeros((HIDDEN,), dtype=jnp.float32)
    W2 = jax.random.normal(k5, (HIDDEN, 1), dtype=jnp.float32) * 0.1
    b2 = jnp.zeros((1,), dtype=jnp.float32)
    return {"state": state, "edge_index": edge_index, "edge_attr": edge_attr,
            "W1": W1, "b1": b1, "W2": W2, "b2": b2}


def gcn_conv(h, edge_index, W, b, num_nodes):
    # GCNConv: h' = D^{-1/2} (A + I) D^{-1/2} (h W) + b
    h = h @ W
    src = edge_index[0]
    dst = edge_index[1]
    loop = jnp.arange(num_nodes, dtype=edge_index.dtype)
    src = jnp.concatenate([src, loop])
    dst = jnp.concatenate([dst, loop])
    deg = jnp.zeros((num_nodes,), dtype=h.dtype).at[dst].add(1.0)
    deg_inv_sqrt = jnp.where(deg > 0, jax.lax.rsqrt(jnp.maximum(deg, 1e-12)), 0.0)
    norm = deg_inv_sqrt[src] * deg_inv_sqrt[dst]
    msgs = h[src] * norm[:, None]
    out = jax.ops.segment_sum(msgs, dst, num_segments=num_nodes)
    return out + b


def reference(state, edge_index, edge_attr, W1, b1, W2, b2):
    # current_state=True branch: reshape scalar node state to [N, 1]
    s = jnp.reshape(state, (state.shape[0], 1))
    x = gcn_conv(s, edge_index, W1, b1, s.shape[0])
    # model_sequence (Linear(hidden_dim, 1))
    x = x @ W2 + b2
    return x

if __name__ == "__main__":
    import jax
    _d = setup_inputs()
    print(jax.jit(kernel)(*tuple(_d.values())))

</pallas_src>

<mosaic_0001>
#map = affine_map<(d0, d1) -> (0, 0)>
#map1 = affine_map<(d0, d1) -> (0)>
module attributes {stable_mosaic.version = 14 : i64} {
  func.func @_sc_kernel(%arg0: i32, %arg1: i32, %arg2: memref<2x320000xi32, #tpu.memory_space<hbm>>, %arg3: memref<10000xf32, #tpu.memory_space<hbm>>, %arg4: memref<10240xf32, #tpu.memory_space<hbm>>, %arg5: memref<10240xf32, #tpu.memory_space<hbm>>, %arg6: memref<10240xf32, #tpu.memory_space<hbm>>, %arg7: memref<10240xf32, #tpu.memory_space<hbm>>, %arg8: memref<20000xi32, #tpu.memory_space<vmem>>, %arg9: memref<10000xi32, #tpu.memory_space<vmem>>, %arg10: memref<10240xf32, #tpu.memory_space<vmem>>, %arg11: memref<10240xf32, #tpu.memory_space<vmem>>, %arg12: memref<16x640xf32, #tpu.memory_space<vmem>>, %arg13: memref<640xf32, #tpu.memory_space<vmem>>, %arg14: memref<640xf32, #tpu.memory_space<vmem>>, %arg15: memref<640xf32, #tpu.memory_space<vmem>>, %arg16: memref<16x10240xf32, #tpu.memory_space<vmem_shared>>, %arg17: memref<10240xf32, #tpu.memory_space<vmem_shared>>, %arg18: memref<!tpu.dma_semaphore, #tpu.memory_space<semaphore_mem>>, %arg19: memref<!tpu.dma_semaphore, #tpu.memory_space<semaphore_mem>>, %arg20: memref<!tpu.dma_semaphore, #tpu.memory_space<semaphore_mem>>) attributes {dimension_semantics = [#tpu.dimension_semantics<core_parallel>, #tpu.dimension_semantics<subcore_parallel>], iteration_bounds = array<i64: 2, 16>, scalar_prefetch = 0 : i64, scratch_operands = 13 : i64, tpu.core_type = #tpu.core_type<sc_vector_subcore>, window_params = [{transform_indices = #map}, {transform_indices = #map1}, {transform_indices = #map1}, {transform_indices = #map1}, {transform_indices = #map1}, {transform_indices = #map1}]} {
    %mul3A = arith.constant 640 : i32
    %mul3A_0 = arith.muli %arg1, %mul3A : i32
    %mul3A_1 = arith.constant 16 : i32
    %mul3A_2 = arith.muli %arg0, %mul3A_1 : i32
    %add3A = arith.addi %mul3A_2, %arg1 : i32
    %broadcast_in_dim3A = arith.constant 0.000000e+00 : f32
    %broadcast_in_dim3A_3 = vector.broadcast %broadcast_in_dim3A : f32 to vector<16xf32>
    %broadcast_in_dim3A_4 = arith.constant 1.000000e+00 : f32
    %broadcast_in_dim3A_5 = vector.broadcast %broadcast_in_dim3A_4 : f32 to vector<16xf32>
    %mul3A_6 = arith.constant 10000 : i32
    %mul3A_7 = arith.muli %arg1, %mul3A_6 : i32
    %dma_start3A = arith.constant 1 : i32
    %dma_start3A_8 = arith.constant 0 : i32
    %dma_start3A_9 = tpu.memref_slice %arg8[%dma_start3A_8] : memref<20000xi32, #tpu.memory_space<vmem>> -> memref<10000xi32, #tpu.memory_space<vmem>>
    %dma_start3A_10 = tpu.memref_slice %arg2[%dma_start3A, %mul3A_7] : memref<2x320000xi32, #tpu.memory_space<hbm>> -> memref<1x10000xi32, #tpu.memory_space<hbm>>
    %dma_start3A_11 = tpu.memref_squeeze %dma_start3A_10 : memref<1x10000xi32, #tpu.memory_space<hbm>> -> memref<10000xi32, #tpu.memory_space<hbm>>
    %dma_start3A_12 = arith.constant 0 : i32
    %dma_start3A_13 = tpu.memref_slice %arg8[%dma_start3A_12] : memref<20000xi32, #tpu.memory_space<vmem>> -> memref<10000xi32, #tpu.memory_space<vmem>>
    %dma_start3A_14 = tpu.memref_slice %arg2[%dma_start3A, %mul3A_7] : memref<2x320000xi32, #tpu.memory_space<hbm>> -> memref<1x10000xi32, #tpu.memory_space<hbm>>
    %dma_start3A_15 = tpu.memref_squeeze %dma_start3A_14 : memref<1x10000xi32, #tpu.memory_space<hbm>> -> memref<10000xi32, #tpu.memory_space<hbm>>
    tpu.enqueue_dma source(%dma_start3A_15 : memref<10000xi32, #tpu.memory_space<hbm>>) target(%dma_start3A_13 : memref<10000xi32, #tpu.memory_space<vmem>>) target_semaphore(%arg18 : memref<!tpu.dma_semaphore, #tpu.memory_space<semaphore_mem>>)
    %add3A_16 = arith.constant 16 : i32
    %add3A_17 = arith.addi %arg1, %add3A_16 : i32
    %mul3A_18 = arith.constant 10000 : i32
    %mul3A_19 = arith.muli %add3A_17, %mul3A_18 : i32
    %dma_start3A_20 = arith.constant 1 : i32
    %dma_start3A_21 = arith.constant 10000 : i32
    %dma_start3A_22 = tpu.memref_slice %arg8[%dma_start3A_21] : memref<20000xi32, #tpu.memory_space<vmem>> -> memref<10000xi32, #tpu.memory_space<vmem>>
    %dma_start3A_23 = tpu.memref_slice %arg2[%dma_start3A_20, %mul3A_19] : memref<2x320000xi32, #tpu.memory_space<hbm>> -> memref<1x10000xi32, #tpu.memory_space<hbm>>
    %dma_start3A_24 = tpu.memref_squeeze %dma_start3A_23 : memref<1x10000xi32, #tpu.memory_space<hbm>> -> memref<10000xi32, #tpu.memory_space<hbm>>
    %dma_start3A_25 = arith.constant 10000 : i32
    %dma_start3A_26 = tpu.memref_slice %arg8[%dma_start3A_25] : memref<20000xi32, #tpu.memory_space<vmem>> -> memref<10000xi32, #tpu.memory_space<vmem>>
    %dma_start3A_27 = tpu.memref_slice %arg2[%dma_start3A_20, %mul3A_19] : memref<2x320000xi32, #tpu.memory_space<hbm>> -> memref<1x10000xi32, #tpu.memory_space<hbm>>
    %dma_start3A_28 = tpu.memref_squeeze %dma_start3A_27 : memref<1x10000xi32, #tpu.memory_space<hbm>> -> memref<10000xi32, #tpu.memory_space<hbm>>
    tpu.enqueue_dma source(%dma_start3A_28 : memref<10000xi32, #tpu.memory_space<hbm>>) target(%dma_start3A_26 : memref<10000xi32, #tpu.memory_space<vmem>>) target_semaphore(%arg18 : memref<!tpu.dma_semaphore, #tpu.memory_space<semaphore_mem>>)
    %mul3A_29 = arith.constant 10000 : i32
    %mul3A_30 = arith.muli %add3A, %mul3A_29 : i32
    %dma_start3A_31 = arith.constant 0 : i32
    %dma_start3A_32 = tpu.memref_slice %arg2[%dma_start3A_31, %mul3A_30] : memref<2x320000xi32, #tpu.memory_space<hbm>> -> memref<1x10000xi32, #tpu.memory_space<hbm>>
    %dma_start3A_33 = tpu.memref_squeeze %dma_start3A_32 : memref<1x10000xi32, #tpu.memory_space<hbm>> -> memref<10000xi32, #tpu.memory_space<hbm>>
    %dma_start3A_34 = tpu.memref_slice %arg2[%dma_start3A_31, %mul3A_30] : memref<2x320000xi32, #tpu.memory_space<hbm>> -> memref<1x10000xi32, #tpu.memory_space<hbm>>
    %dma_start3A_35 = tpu.memref_squeeze %dma_start3A_34 : memref<1x10000xi32, #tpu.memory_space<hbm>> -> memref<10000xi32, #tpu.memory_space<hbm>>
    tpu.enqueue_dma source(%dma_start3A_35 : memref<10000xi32, #tpu.memory_space<hbm>>) target(%arg9 : memref<10000xi32, #tpu.memory_space<vmem>>) target_semaphore(%arg19 : memref<!tpu.dma_semaphore, #tpu.memory_space<semaphore_mem>>)
    %lt3A = arith.constant 15 : i32
    %lt3A_36 = arith.cmpi slt, %arg1, %lt3A : i32
    %convert_element_type3A = arith.extui %lt3A_36 : i1 to i32
    %cond3A = arith.constant 0 : i32
    %cond3A_37 = arith.cmpi ne, %convert_element_type3A, %cond3A : i32
    scf.if %cond3A_37 {
      "tpu.region"() ({
        %run_scoped3A = tpu.sem_alloc : memref<!tpu.dma_semaphore, #tpu.memory_space<semaphore_mem>>
        %dma_start3A_124 = tpu.memref_slice %arg3[%mul3A_0] : memref<10000xf32, #tpu.memory_space<hbm>> -> memref<640xf32, #tpu.memory_space<hbm>>
        %dma_start3A_125 = tpu.memref_slice %arg3[%mul3A_0] : memref<10000xf32, #tpu.memory_space<hbm>> -> memref<640xf32, #tpu.memory_space<hbm>>
        tpu.enqueue_dma source(%dma_start3A_125 : memref<640xf32, #tpu.memory_space<hbm>>) target(%arg13 : memref<640xf32, #tpu.memory_space<vmem>>) target_semaphore(%run_scoped3A : memref<!tpu.dma_semaphore, #tpu.memory_space<semaphore_mem>>)
        %dma_wait3A_126 = tpu.memref_slice %arg3[%mul3A_0] : memref<10000xf32, #tpu.memory_space<hbm>> -> memref<640xf32, #tpu.memory_space<hbm>>
        %dma_wait3A_127 = tpu.memref_slice %arg3[%mul3A_0] : memref<10000xf32, #tpu.memory_space<hbm>> -> memref<640xf32, #tpu.memory_space<hbm>>
        tpu.wait_dma2 semaphore(%run_scoped3A : memref<!tpu.dma_semaphore, #tpu.memory_space<semaphore_mem>>) src(%dma_wait3A_127 : memref<640xf32, #tpu.memory_space<hbm>>) dst(%arg13 : memref<640xf32, #tpu.memory_space<vmem>>)
        tpu.yield
      }) : () -> ()
    } else {
    }
    %eq3A = arith.constant 15 : i32
    %eq3A_38 = arith.cmpi eq, %arg1, %eq3A : i32
    %convert_element_type3A_39 = arith.extui %eq3A_38 : i1 to i32
    %cond3A_40 = arith.constant 0 : i32
    %cond3A_41 = arith.cmpi ne, %convert_element_type3A_39, %cond3A_40 : i32
    scf.if %cond3A_41 {
      %swap3A = arith.constant 400 : index
      %swap3A_124 = tpu.vector_load %arg13[%swap3A] {strides = array<i32>} : memref<640xf32, #tpu.memory_space<vmem>>, vector<16xf32>,
      tpu.vector_store %arg13[%swap3A], %broadcast_in_dim3A_3 {strides = array<i32>} : memref<640xf32, #tpu.memory_space<vmem>>, vector<16xf32>,
      %swap3A_125 = arith.constant 416 : index
      %swap3A_126 = tpu.vector_load %arg13[%swap3A_125] {strides = array<i32>} : memref<640xf32, #tpu.memory_space<vmem>>, vector<16xf32>,
      tpu.vector_store %arg13[%swap3A_125], %broadcast_in_dim3A_3 {strides = array<i32>} : memref<640xf32, #tpu.memory_space<vmem>>, vector<16xf32>,
      %swap3A_127 = arith.constant 432 : index
      %swap3A_128 = tpu.vector_load %arg13[%swap3A_127] {strides = array<i32>} : memref<640xf32, #tpu.memory_space<vmem>>, vector<16xf32>,
      tpu.vector_store %arg13[%swap3A_127], %broadcast_in_dim3A_3 {strides = array<i32>} : memref<640xf32, #tpu.memory_space<vmem>>, vector<16xf32>,
      %swap3A_129 = arith.constant 448 : index
      %swap3A_130 = tpu.vector_load %arg13[%swap3A_129] {strides = array<i32>} : memref<640xf32, #tpu.memory_space<vmem>>, vector<16xf32>,
      tpu.vector_store %arg13[%swap3A_129], %broadcast_in_dim3A_3 {strides = array<i32>} : memref<640xf32, #tpu.memory_space<vmem>>, vector<16xf32>,
      %swap3A_131 = arith.constant 464 : index
      %swap3A_132 = tpu.vector_load %arg13[%swap3A_131] {strides = array<i32>} : memref<640xf32, #tpu.memory_space<vmem>>, vector<16xf32>,
      tpu.vector_store %arg13[%swap3A_131], %broadcast_in_dim3A_3 {strides = array<i32>} : memref<640xf32, #tpu.memory_space<vmem>>, vector<16xf32>,
      %swap3A_133 = arith.constant 480 : index
      %swap3A_134 = tpu.vector_load %arg13[%swap3A_133] {strides = array<i32>} : memref<640xf32, #tpu.memory_space<vmem>>, vector<16xf32>,
      tpu.vector_store %arg13[%swap3A_133], %broadcast_in_dim3A_3 {strides = array<i32>} : memref<640xf32, #tpu.memory_space<vmem>>, vector<16xf32>,
      %swap3A_135 = arith.constant 496 : index
      %swap3A_136 = tpu.vector_load %arg13[%swap3A_135] {strides = array<i32>} : memref<640xf32, #tpu.memory_space<vmem>>, vector<16xf32>,
      tpu.vector_store %arg13[%swap3A_135], %broadcast_in_dim3A_3 {strides = array<i32>} : memref<640xf32, #tpu.memory_space<vmem>>, vector<16xf32>,
      %swap3A_137 = arith.constant 512 : index
      %swap3A_138 = tpu.vector_load %arg13[%swap3A_137] {strides = array<i32>} : memref<640xf32, #tpu.memory_space<vmem>>, vector<16xf32>,
      tpu.vector_store %arg13[%swap3A_137], %broadcast_in_dim3A_3 {strides = array<i32>} : memref<640xf32, #tpu.memory_space<vmem>>, vector<16xf32>,
      %swap3A_139 = arith.constant 528 : index
      %swap3A_140 = tpu.vector_load %arg13[%swap3A_139] {strides = array<i32>} : memref<640xf32, #tpu.memory_space<vmem>>, vector<16xf32>,
      tpu.vector_store %arg13[%swap3A_139], %broadcast_in_dim3A_3 {strides = array<i32>} : memref<640xf32, #tpu.memory_space<vmem>>, vector<16xf32>,
      %swap3A_141 = arith.constant 544 : index
      %swap3A_142 = tpu.vector_load %arg13[%swap3A_141] {strides = array<i32>} : memref<640xf32, #tpu.memory_space<vmem>>, vector<16xf32>,
      tpu.vector_store %arg13[%swap3A_141], %broadcast_in_dim3A_3 {strides = array<i32>} : memref<640xf32, #tpu.memory_space<vmem>>, vector<16xf32>,
      %swap3A_143 = arith.constant 560 : index
      %swap3A_144 = tpu.vector_load %arg13[%swap3A_143] {strides = array<i32>} : memref<640xf32, #tpu.memory_space<vmem>>, vector<16xf32>,
      tpu.vector_store %arg13[%swap3A_143], %broadcast_in_dim3A_3 {strides = array<i32>} : memref<640xf32, #tpu.memory_space<vmem>>, vector<16xf32>,
      %swap3A_145 = arith.constant 576 : index
      %swap3A_146 = tpu.vector_load %arg13[%swap3A_145] {strides = array<i32>} : memref<640xf32, #tpu.memory_space<vmem>>, vector<16xf32>,
      tpu.vector_store %arg13[%swap3A_145], %broadcast_in_dim3A_3 {strides = array<i32>} : memref<640xf32, #tpu.memory_space<vmem>>, vector<16xf32>,
      %swap3A_147 = arith.constant 592 : index
      %swap3A_148 = tpu.vector_load %arg13[%swap3A_147] {strides = array<i32>} : memref<640xf32, #tpu.memory_space<vmem>>, vector<16xf32>,
      tpu.vector_store %arg13[%swap3A_147], %broadcast_in_dim3A_3 {strides = array<i32>} : memref<640xf32, #tpu.memory_space<vmem>>, vector<16xf32>,
      %swap3A_149 = arith.constant 608 : index
      %swap3A_150 = tpu.vector_load %arg13[%swap3A_149] {strides = array<i32>} : memref<640xf32, #tpu.memory_space<vmem>>, vector<16xf32>,
      tpu.vector_store %arg13[%swap3A_149], %broadcast_in_dim3A_3 {strides = array<i32>} : memref<640xf32, #tpu.memory_space<vmem>>, vector<16xf32>,
      %swap3A_151 = arith.constant 624 : index
      %swap3A_152 = tpu.vector_load %arg13[%swap3A_151] {strides = array<i32>} : memref<640xf32, #tpu.memory_space<vmem>>, vector<16xf32>,
      tpu.vector_store %arg13[%swap3A_151], %broadcast_in_dim3A_3 {strides = array<i32>} : memref<640xf32, #tpu.memory_space<vmem>>, vector<16xf32>,
      "tpu.region"() ({
        %run_scoped3A = tpu.sem_alloc : memref<!tpu.dma_semaphore, #tpu.memory_space<semaphore_mem>>
        %dma_start3A_153 = arith.constant 0 : i32
        %dma_start3A_154 = tpu.memref_slice %arg13[%dma_start3A_153] : memref<640xf32, #tpu.memory_space<vmem>> -> memref<400xf32, #tpu.memory_space<vmem>>
        %dma_start3A_155 = tpu.memref_slice %arg3[%mul3A_0] : memref<10000xf32, #tpu.memory_space<hbm>> -> memref<400xf32, #tpu.memory_space<hbm>>
        %dma_start3A_156 = arith.constant 0 : i32
        %dma_start3A_157 = tpu.memref_slice %arg13[%dma_start3A_156] : memref<640xf32, #tpu.memory_space<vmem>> -> memref<400xf32, #tpu.memory_space<vmem>>
        %dma_start3A_158 = tpu.memref_slice %arg3[%mul3A_0] : memref<10000xf32, #tpu.memory_space<hbm>> -> memref<400xf32, #tpu.memory_space<hbm>>
        tpu.enqueue_dma source(%dma_start3A_158 : memref<400xf32, #tpu.memory_space<hbm>>) target(%dma_start3A_157 : memref<400xf32, #tpu.memory_space<vmem>>) target_semaphore(%run_scoped3A : memref<!tpu.dma_semaphore, #tpu.memory_space<semaphore_mem>>)
        %dma_wait3A_159 = arith.constant 0 : i32
        %dma_wait3A_160 = tpu.memref_slice %arg13[%dma_wait3A_159] : memref<640xf32, #tpu.memory_space<vmem>> -> memref<400xf32, #tpu.memory_space<vmem>>
        %dma_wait3A_161 = tpu.memref_slice %arg3[%mul3A_0] : memref<10000xf32, #tpu.memory_space<hbm>> -> memref<400xf32, #tpu.memory_space<hbm>>
        %dma_wait3A_162 = arith.constant 0 : i32
        %dma_wait3A_163 = tpu.memref_slice %arg13[%dma_wait3A_162] : memref<640xf32, #tpu.memory_space<vmem>> -> memref<400xf32, #tpu.memory_space<vmem>>
        %dma_wait3A_164 = tpu.memref_slice %arg3[%mul3A_0] : memref<10000xf32, #tpu.memory_space<hbm>> -> memref<400xf32, #tpu.memory_space<hbm>>
        tpu.wait_dma2 semaphore(%run_scoped3A : memref<!tpu.dma_semaphore, #tpu.memory_space<semaphore_mem>>) src(%dma_wait3A_164 : memref<400xf32, #tpu.memory_space<hbm>>) dst(%dma_wait3A_163 : memref<400xf32, #tpu.memory_space<vmem>>)
        tpu.yield
      }) : () -> ()
    } else {
    }
    %scan3A = arith.constant 0 : i32
    %scan3A_42 = arith.constant 0 : i32
    %scan3A_43 = arith.constant 80 : i32
    %scan3A_44 = arith.addi %scan3A_42, %scan3A_43 : i32
    %scan3A_45 = arith.constant 1 : i32
    %scan3A_46 = scf.for %scan3A_124 = %scan3A_42 to %scan3A_44 step %scan3A_45 iter_args(%scan3A_125 = %scan3A) -> (i32)  : i32 {
      %mul3A_126 = arith.constant 8 : i32
      %mul3A_127 = arith.muli %scan3A_124, %mul3A_126 : i32
      %add3A_128 = arith.constant 0 : i32
      %add3A_129 = arith.addi %mul3A_127, %add3A_128 : i32
      %mul3A_130 = arith.constant 16 : i32
      %mul3A_131 = arith.muli %add3A_129, %mul3A_130 : i32
      %swap3A = arith.index_cast %mul3A_131 : i32 to index
      %swap3A_132 = tpu.vector_load %arg10[%swap3A] {strides = array<i32>} : memref<10240xf32, #tpu.memory_space<vmem>>, vector<16xf32>,
      tpu.vector_store %arg10[%swap3A], %broadcast_in_dim3A_3 {strides = array<i32>} : memref<10240xf32, #tpu.memory_space<vmem>>, vector<16xf32>,
      %mul3A_133 = arith.constant 8 : i32
      %mul3A_134 = arith.muli %scan3A_124, %mul3A_133 : i32
      %add3A_135 = arith.constant 1 : i32
      %add3A_136 = arith.addi %mul3A_134, %add3A_135 : i32
      %mul3A_137 = arith.constant 16 : i32
      %mul3A_138 = arith.muli %add3A_136, %mul3A_137 : i32
      %swap3A_139 = arith.index_cast %mul3A_138 : i32 to index
      %swap3A_140 = tpu.vector_load %arg10[%swap3A_139] {strides = array<i32>} : memref<10240xf32, #tpu.memory_space<vmem>>, vector<16xf32>,
      tpu.vector_store %arg10[%swap3A_139], %broadcast_in_dim3A_3 {strides = array<i32>} : memref<10240xf32, #tpu.memory_space<vmem>>, vector<16xf32>,
      %mul3A_141 = arith.constant 8 : i32
      %mul3A_142 = arith.muli %scan3A_124, %mul3A_141 : i32
      %add3A_143 = arith.constant 2 : i32
      %add3A_144 = arith.addi %mul3A_142, %add3A_143 : i32
      %mul3A_145 = arith.constant 16 : i32
      %mul3A_146 = arith.muli %add3A_144, %mul3A_145 : i32
      %swap3A_147 = arith.index_cast %mul3A_146 : i32 to index
      %swap3A_148 = tpu.vector_load %arg10[%swap3A_147] {strides = array<i32>} : memref<10240xf32, #tpu.memory_space<vmem>>, vector<16xf32>,
      tpu.vector_store %arg10[%swap3A_147], %broadcast_in_dim3A_3 {strides = array<i32>} : memref<10240xf32, #tpu.memory_space<vmem>>, vector<16xf32>,
      %mul3A_149 = arith.constant 8 : i32
      %mul3A_150 = arith.muli %scan3A_124, %mul3A_149 : i32
      %add3A_151 = arith.constant 3 : i32
      %add3A_152 = arith.addi %mul3A_150, %add3A_151 : i32
      %mul3A_153 = arith.constant 16 : i32
      %mul3A_154 = arith.muli %add3A_152, %mul3A_153 : i32
      %swap3A_155 = arith.index_cast %mul3A_154 : i32 to index
      %swap3A_156 = tpu.vector_load %arg10[%swap3A_155] {strides = array<i32>} : memref<10240xf32, #tpu.memory_space<vmem>>, vector<16xf32>,
      tpu.vector_store %arg10[%swap3A_155], %broadcast_in_dim3A_3 {strides = array<i32>} : memref<10240xf32, #tpu.memory_space<vmem>>, vector<16xf32>,
      %mul3A_157 = arith.constant 8 : i32
      %mul3A_158 = arith.muli %scan3A_124, %mul3A_157 : i32
      %add3A_159 = arith.constant 4 : i32
      %add3A_160 = arith.addi %mul3A_158, %add3A_159 : i32
      %mul3A_161 = arith.constant 16 : i32
      %mul3A_162 = arith.muli %add3A_160, %mul3A_161 : i32
      %swap3A_163 = arith.index_cast %mul3A_162 : i32 to index
      %swap3A_164 = tpu.vector_load %arg10[%swap3A_163] {strides = array<i32>} : memref<10240xf32, #tpu.memory_space<vmem>>, vector<16xf32>,
      tpu.vector_store %arg10[%swap3A_163], %broadcast_in_dim3A_3 {strides = array<i32>} : memref<10240xf32, #tpu.memory_space<vmem>>, vector<16xf32>,
      %mul3A_165 = arith.constant 8 : i32
      %mul3A_166 = arith.muli %scan3A_124, %mul3A_165 : i32
      %add3A_167 = arith.constant 5 : i32
      %add3A_168 = arith.addi %mul3A_166, %add3A_167 : i32
      %mul3A_169 = arith.constant 16 : i32
      %mul3A_170 = arith.muli %add3A_168, %mul3A_169 : i32
      %swap3A_171 = arith.index_cast %mul3A_170 : i32 to index
      %swap3A_172 = tpu.vector_load %arg10[%swap3A_171] {strides = array<i32>} : memref<10240xf32, #tpu.memory_space<vmem>>, vector<16xf32>,
      tpu.vector_store %arg10[%swap3A_171], %broadcast_in_dim3A_3 {strides = array<i32>} : memref<10240xf32, #tpu.memory_space<vmem>>, vector<16xf32>,
      %mul3A_173 = arith.constant 8 : i32
      %mul3A_174 = arith.muli %scan3A_124, %mul3A_173 : i32
      %add3A_175 = arith.constant 6 : i32
      %add3A_176 = arith.addi %mul3A_174, %add3A_175 : i32
      %mul3A_177 = arith.constant 16 : i32
      %mul3A_178 = arith.muli %add3A_176, %mul3A_177 : i32
      %swap3A_179 = arith.index_cast %mul3A_178 : i32 to index
      %swap3A_180 = tpu.vector_load %arg10[%swap3A_179] {strides = array<i32>} : memref<10240xf32, #tpu.memory_space<vmem>>, vector<16xf32>,
      tpu.vector_store %arg10[%swap3A_179], %broadcast_in_dim3A_3 {strides = array<i32>} : memref<10240xf32, #tpu.memory_space<vmem>>, vector<16xf32>,
      %mul3A_181 = arith.constant 8 : i32
      %mul3A_182 = arith.muli %scan3A_124, %mul3A_181 : i32
      %add3A_183 = arith.constant 7 : i32
      %add3A_184 = arith.addi %mul3A_182, %add3A_183 : i32
      %mul3A_185 = arith.constant 16 : i32
      %mul3A_186 = arith.muli %add3A_184, %mul3A_185 : i32
      %swap3A_187 = arith.index_cast %mul3A_186 : i32 to index
      %swap3A_188 = tpu.vector_load %arg10[%swap3A_187] {strides = array<i32>} : memref<10240xf32, #tpu.memory_space<vmem>>, vector<16xf32>,
      tpu.vector_store %arg10[%swap3A_187], %broadcast_in_dim3A_3 {strides = array<i32>} : memref<10240xf32, #tpu.memory_space<vmem>>, vector<16xf32>,
      %scan3A_189 = arith.constant 0 : i32
      scf.yield %scan3A_189 : i32
    }
    %scan3A_47 = arith.constant 80 : i32
    %dma_wait3A = arith.constant 1 : i32
    %dma_wait3A_48 = arith.constant 0 : i32
    %dma_wait3A_49 = tpu.memref_slice %arg8[%dma_wait3A_48] : memref<20000xi32, #tpu.memory_space<vmem>> -> memref<10000xi32, #tpu.memory_space<vmem>>
    %dma_wait3A_50 = tpu.memref_slice %arg2[%dma_wait3A, %mul3A_7] : memref<2x320000xi32, #tpu.memory_space<hbm>> -> memref<1x10000xi32, #tpu.memory_space<hbm>>
    %dma_wait3A_51 = tpu.memref_squeeze %dma_wait3A_50 : memref<1x10000xi32, #tpu.memory_space<hbm>> -> memref<10000xi32, #tpu.memory_space<hbm>>
    %dma_wait3A_52 = arith.constant 0 : i32
    %dma_wait3A_53 = tpu.memref_slice %arg8[%dma_wait3A_52] : memref<20000xi32, #tpu.memory_space<vmem>> -> memref<10000xi32, #tpu.memory_space<vmem>>
    %dma_wait3A_54 = tpu.memref_slice %arg2[%dma_wait3A, %mul3A_7] : memref<2x320000xi32, #tpu.memory_space<hbm>> -> memref<1x10000xi32, #tpu.memory_space<hbm>>
    %dma_wait3A_55 = tpu.memref_squeeze %dma_wait3A_54 : memref<1x10000xi32, #tpu.memory_space<hbm>> -> memref<10000xi32, #tpu.memory_space<hbm>>
    tpu.wait_dma2 semaphore(%arg18 : memref<!tpu.dma_semaphore, #tpu.memory_space<semaphore_mem>>) src(%dma_wait3A_55 : memref<10000xi32, #tpu.memory_space<hbm>>) dst(%dma_wait3A_53 : memref<10000xi32, #tpu.memory_space<vmem>>)
    %dma_wait3A_56 = arith.constant 1 : i32
    %dma_wait3A_57 = arith.constant 10000 : i32
    %dma_wait3A_58 = tpu.memref_slice %arg8[%dma_wait3A_57] : memref<20000xi32, #tpu.memory_space<vmem>> -> memref<10000xi32, #tpu.memory_space<vmem>>
    %dma_wait3A_59 = tpu.memref_slice %arg2[%dma_wait3A_56, %mul3A_19] : memref<2x320000xi32, #tpu.memory_space<hbm>> -> memref<1x10000xi32, #tpu.memory_space<hbm>>
    %dma_wait3A_60 = tpu.memref_squeeze %dma_wait3A_59 : memref<1x10000xi32, #tpu.memory_space<hbm>> -> memref<10000xi32, #tpu.memory_space<hbm>>
    %dma_wait3A_61 = arith.constant 10000 : i32
    %dma_wait3A_62 = tpu.memref_slice %arg8[%dma_wait3A_61] : memref<20000xi32, #tpu.memory_space<vmem>> -> memref<10000xi32, #tpu.memory_space<vmem>>
    %dma_wait3A_63 = tpu.memref_slice %arg2[%dma_wait3A_56, %mul3A_19] : memref<2x320000xi32, #tpu.memory_space<hbm>> -> memref<1x10000xi32, #tpu.memory_space<hbm>>
    %dma_wait3A_64 = tpu.memref_squeeze %dma_wait3A_63 : memref<1x10000xi32, #tpu.memory_space<hbm>> -> memref<10000xi32, #tpu.memory_space<hbm>>
    tpu.wait_dma2 semaphore(%arg18 : memref<!tpu.dma_semaphore, #tpu.memory_space<semaphore_mem>>) src(%dma_wait3A_64 : memref<10000xi32, #tpu.memory_space<hbm>>) dst(%dma_wait3A_62 : memref<10000xi32, #tpu.memory_space<vmem>>)
    %scan3A_65 = arith.constant 0 : i32
    %scan3A_66 = arith.constant 0 : i32
    %scan3A_67 = arith.constant 125 : i32
    %scan3A_68 = arith.addi %scan3A_66, %scan3A_67 : i32
    %scan3A_69 = arith.constant 1 : i32
    %scan3A_70 = scf.for %scan3A_124 = %scan3A_66 to %scan3A_68 step %scan3A_69 iter_args(%scan3A_125 = %scan3A_65) -> (i32)  : i32 {
      %mul3A_126 = arith.constant 10 : i32
      %mul3A_127 = arith.muli %scan3A_124, %mul3A_126 : i32
      %add3A_128 = arith.constant 0 : i32
      %add3A_129 = arith.addi %mul3A_127, %add3A_128 : i32
      %mul3A_130 = arith.constant 16 : i32
      %mul3A_131 = arith.muli %add3A_129, %mul3A_130 : i32
      %mul3A_132 = arith.constant 10 : i32
      %mul3A_133 = arith.muli %scan3A_124, %mul3A_132 : i32
      %add3A_134 = arith.constant 1 : i32
      %add3A_135 = arith.addi %mul3A_133, %add3A_134 : i32
      %mul3A_136 = arith.constant 16 : i32
      %mul3A_137 = arith.muli %add3A_135, %mul3A_136 : i32
      %mul3A_138 = arith.constant 10 : i32
      %mul3A_139 = arith.muli %scan3A_124, %mul3A_138 : i32
      %add3A_140 = arith.constant 2 : i32
      %add3A_141 = arith.addi %mul3A_139, %add3A_140 : i32
      %mul3A_142 = arith.constant 16 : i32
      %mul3A_143 = arith.muli %add3A_141, %mul3A_142 : i32
      %mul3A_144 = arith.constant 10 : i32
      %mul3A_145 = arith.muli %scan3A_124, %mul3A_144 : i32
      %add3A_146 = arith.constant 3 : i32
      %add3A_147 = arith.addi %mul3A_145, %add3A_146 : i32
      %mul3A_148 = arith.constant 16 : i32
      %mul3A_149 = arith.muli %add3A_147, %mul3A_148 : i32
      %mul3A_150 = arith.constant 10 : i32
      %mul3A_151 = arith.muli %scan3A_124, %mul3A_150 : i32
      %add3A_152 = arith.constant 4 : i32
      %add3A_153 = arith.addi %mul3A_151, %add3A_152 : i32
      %mul3A_154 = arith.constant 16 : i32
      %mul3A_155 = arith.muli %add3A_153, %mul3A_154 : i32
      %mul3A_156 = arith.constant 10 : i32
      %mul3A_157 = arith.muli %scan3A_124, %mul3A_156 : i32
      %add3A_158 = arith.constant 5 : i32
      %add3A_159 = arith.addi %mul3A_157, %add3A_158 : i32
      %mul3A_160 = arith.constant 16 : i32
      %mul3A_161 = arith.muli %add3A_159, %mul3A_160 : i32
      %mul3A_162 = arith.constant 10 : i32
      %mul3A_163 = arith.muli %scan3A_124, %mul3A_162 : i32
      %add3A_164 = arith.constant 6 : i32
      %add3A_165 = arith.addi %mul3A_163, %add3A_164 : i32
      %mul3A_166 = arith.constant 16 : i32
      %mul3A_167 = arith.muli %add3A_165, %mul3A_166 : i32
      %mul3A_168 = arith.constant 10 : i32
      %mul3A_169 = arith.muli %scan3A_124, %mul3A_168 : i32
      %add3A_170 = arith.constant 7 : i32
      %add3A_171 = arith.addi %mul3A_169, %add3A_170 : i32
      %mul3A_172 = arith.constant 16 : i32
      %mul3A_173 = arith.muli %add3A_171, %mul3A_172 : i32
      %mul3A_174 = arith.constant 10 : i32
      %mul3A_175 = arith.muli %scan3A_124, %mul3A_174 : i32
      %add3A_176 = arith.constant 8 : i32
      %add3A_177 = arith.addi %mul3A_175, %add3A_176 : i32
      %mul3A_178 = arith.constant 16 : i32
      %mul3A_179 = arith.muli %add3A_177, %mul3A_178 : i32
      %mul3A_180 = arith.constant 10 : i32
      %mul3A_181 = arith.muli %scan3A_124, %mul3A_180 : i32
      %add3A_182 = arith.constant 9 : i32
      %add3A_183 = arith.addi %mul3A_181, %add3A_182 : i32
      %mul3A_184 = arith.constant 16 : i32
      %mul3A_185 = arith.muli %add3A_183, %mul3A_184 : i32
      %get3A = arith.index_cast %mul3A_131 : i32 to index
      %get3A_186 = tpu.vector_load %arg8[%get3A] {strides = array<i32>} : memref<20000xi32, #tpu.memory_space<vmem>>, vector<16xi32>,
      %get3A_187 = arith.index_cast %mul3A_137 : i32 to index
      %get3A_188 = tpu.vector_load %arg8[%get3A_187] {strides = array<i32>} : memref<20000xi32, #tpu.memory_space<vmem>>, vector<16xi32>,
      %get3A_189 = arith.index_cast %mul3A_143 : i32 to index
      %get3A_190 = tpu.vector_load %arg8[%get3A_189] {strides = array<i32>} : memref<20000xi32, #tpu.memory_space<vmem>>, vector<16xi32>,
      %get3A_191 = arith.index_cast %mul3A_149 : i32 to index
      %get3A_192 = tpu.vector_load %arg8[%get3A_191] {strides = array<i32>} : memref<20000xi32, #tpu.memory_space<vmem>>, vector<16xi32>,
      %get3A_193 = arith.index_cast %mul3A_155 : i32 to index
      %get3A_194 = tpu.vector_load %arg8[%get3A_193] {strides = array<i32>} : memref<20000xi32, #tpu.memory_space<vmem>>, vector<16xi32>,
      %get3A_195 = arith.index_cast %mul3A_161 : i32 to index
      %get3A_196 = tpu.vector_load %arg8[%get3A_195] {strides = array<i32>} : memref<20000xi32, #tpu.memory_space<vmem>>, vector<16xi32>,
      %get3A_197 = arith.index_cast %mul3A_167 : i32 to index
      %get3A_198 = tpu.vector_load %arg8[%get3A_197] {strides = array<i32>} : memref<20000xi32, #tpu.memory_space<vmem>>, vector<16xi32>,
      %get3A_199 = arith.index_cast %mul3A_173 : i32 to index
      %get3A_200 = tpu.vector_load %arg8[%get3A_199] {strides = array<i32>} : memref<20000xi32, #tpu.memory_space<vmem>>, vector<16xi32>,
      %get3A_201 = arith.index_cast %mul3A_179 : i32 to index
      %get3A_202 = tpu.vector_load %arg8[%get3A_201] {strides = array<i32>} : memref<20000xi32, #tpu.memory_space<vmem>>, vector<16xi32>,
      %get3A_203 = arith.index_cast %mul3A_185 : i32 to index
      %get3A_204 = tpu.vector_load %arg8[%get3A_203] {strides = array<i32>} : memref<20000xi32, #tpu.memory_space<vmem>>, vector<16xi32>,
      tpu.vector_store_idx %arg10[%get3A_186], %broadcast_in_dim3A_5 {add = true} : memref<10240xf32, #tpu.memory_space<vmem>>[vector<16xi32>], vector<16xf32>,
      tpu.vector_store_idx %arg10[%get3A_188], %broadcast_in_dim3A_5 {add = true} : memref<10240xf32, #tpu.memory_space<vmem>>[vector<16xi32>], vector<16xf32>,
      tpu.vector_store_idx %arg10[%get3A_190], %broadcast_in_dim3A_5 {add = true} : memref<10240xf32, #tpu.memory_space<vmem>>[vector<16xi32>], vector<16xf32>,
      tpu.vector_store_idx %arg10[%get3A_192], %broadcast_in_dim3A_5 {add = true} : memref<10240xf32, #tpu.memory_space<vmem>>[vector<16xi32>], vector<16xf32>,
      tpu.vector_store_idx %arg10[%get3A_194], %broadcast_in_dim3A_5 {add = true} : memref<10240xf32, #tpu.memory_space<vmem>>[vector<16xi32>], vector<16xf32>,
      tpu.vector_store_idx %arg10[%get3A_196], %broadcast_in_dim3A_5 {add = true} : memref<10240xf32, #tpu.memory_space<vmem>>[vector<16xi32>], vector<16xf32>,
      tpu.vector_store_idx %arg10[%get3A_198], %broadcast_in_dim3A_5 {add = true} : memref<10240xf32, #tpu.memory_space<vmem>>[vector<16xi32>], vector<16xf32>,
      tpu.vector_store_idx %arg10[%get3A_200], %broadcast_in_dim3A_5 {add = true} : memref<10240xf32, #tpu.memory_space<vmem>>[vector<16xi32>], vector<16xf32>,
      tpu.vector_store_idx %arg10[%get3A_202], %broadcast_in_dim3A_5 {add = true} : memref<10240xf32, #tpu.memory_space<vmem>>[vector<16xi32>], vector<16xf32>,
      tpu.vector_store_idx %arg10[%get3A_204], %broadcast_in_dim3A_5 {add = true} : memref<10240xf32, #tpu.memory_space<vmem>>[vector<16xi32>], vector<16xf32>,
      %scan3A_205 = arith.constant 0 : i32
      scf.yield %scan3A_205 : i32
    }
    %scan3A_71 = arith.constant 125 : i32
    "tpu.region"() ({
      %run_scoped3A = tpu.sem_alloc : memref<!tpu.dma_semaphore, #tpu.memory_space<semaphore_mem>>
      %dma_start3A_124 = arith.constant 0 : i32
      %dma_start3A_125 = tpu.memref_slice %arg16[%arg1, %dma_start3A_124] : memref<16x10240xf32, #tpu.memory_space<vmem_shared>> -> memref<1x10240xf32, #tpu.memory_space<vmem_shared>>
      %dma_start3A_126 = tpu.memref_squeeze %dma_start3A_125 : memref<1x10240xf32, #tpu.memory_space<vmem_shared>> -> memref<10240xf32, #tpu.memory_space<vmem_shared>>
      %dma_start3A_127 = arith.constant 0 : i32
      %dma_start3A_128 = tpu.memref_slice %arg16[%arg1, %dma_start3A_127] : memref<16x10240xf32, #tpu.memory_space<vmem_shared>> -> memref<1x10240xf32, #tpu.memory_space<vmem_shared>>
      %dma_start3A_129 = tpu.memref_squeeze %dma_start3A_128 : memref<1x10240xf32, #tpu.memory_space<vmem_shared>> -> memref<10240xf32, #tpu.memory_space<vmem_shared>>
      tpu.enqueue_dma source(%arg10 : memref<10240xf32, #tpu.memory_space<vmem>>) target(%dma_start3A_129 : memref<10240xf32, #tpu.memory_space<vmem_shared>>) target_semaphore(%run_scoped3A : memref<!tpu.dma_semaphore, #tpu.memory_space<semaphore_mem>>)
      %dma_wait3A_130 = arith.constant 0 : i32
      %dma_wait3A_131 = tpu.memref_slice %arg16[%arg1, %dma_wait3A_130] : memref<16x10240xf32, #tpu.memory_space<vmem_shared>> -> memref<1x10240xf32, #tpu.memory_space<vmem_shared>>
      %dma_wait3A_132 = tpu.memref_squeeze %dma_wait3A_131 : memref<1x10240xf32, #tpu.memory_space<vmem_shared>> -> memref<10240xf32, #tpu.memory_space<vmem_shared>>
      %dma_wait3A_133 = arith.constant 0 : i32
      %dma_wait3A_134 = tpu.memref_slice %arg16[%arg1, %dma_wait3A_133] : memref<16x10240xf32, #tpu.memory_space<vmem_shared>> -> memref<1x10240xf32, #tpu.memory_space<vmem_shared>>
      %dma_wait3A_135 = tpu.memref_squeeze %dma_wait3A_134 : memref<1x10240xf32, #tpu.memory_space<vmem_shared>> -> memref<10240xf32, #tpu.memory_space<vmem_shared>>
      tpu.wait_dma2 semaphore(%run_scoped3A : memref<!tpu.dma_semaphore, #tpu.memory_space<semaphore_mem>>) src(%arg10 : memref<10240xf32, #tpu.memory_space<vmem>>) dst(%dma_wait3A_135 : memref<10240xf32, #tpu.memory_space<vmem_shared>>)
      tpu.yield
    }) : () -> ()
    %barrier3A = arith.constant 0 : index
    tpu.barrier barrier_id(%barrier3A)
    "tpu.region"() ({
      %run_scoped3A = tpu.sem_alloc : memref<!tpu.dma_semaphore, #tpu.memory_space<semaphore_mem>>
      %dma_start3A_124 = arith.constant 0 : i32
      %dma_start3A_125 = tpu.memref_slice %arg16[%dma_start3A_124, %mul3A_0] : memref<16x10240xf32, #tpu.memory_space<vmem_shared>> -> memref<16x640xf32, #tpu.memory_space<vmem_shared>>
      %dma_start3A_126 = arith.constant 0 : i32
      %dma_start3A_127 = tpu.memref_slice %arg16[%dma_start3A_126, %mul3A_0] : memref<16x10240xf32, #tpu.memory_space<vmem_shared>> -> memref<16x640xf32, #tpu.memory_space<vmem_shared>>
      tpu.enqueue_dma source(%dma_start3A_127 : memref<16x640xf32, #tpu.memory_space<vmem_shared>>) target(%arg12 : memref<16x640xf32, #tpu.memory_space<vmem>>) target_semaphore(%run_scoped3A : memref<!tpu.dma_semaphore, #tpu.memory_space<semaphore_mem>>)
      %dma_wait3A_128 = arith.constant 0 : i32
      %dma_wait3A_129 = tpu.memref_slice %arg16[%dma_wait3A_128, %mul3A_0] : memref<16x10240xf32, #tpu.memory_space<vmem_shared>> -> memref<16x640xf32, #tpu.memory_space<vmem_shared>>
      %dma_wait3A_130 = arith.constant 0 : i32
      %dma_wait3A_131 = tpu.memref_slice %arg16[%dma_wait3A_130, %mul3A_0] : memref<16x10240xf32, #tpu.memory_space<vmem_shared>> -> memref<16x640xf32, #tpu.memory_space<vmem_shared>>
      tpu.wait_dma2 semaphore(%run_scoped3A : memref<!tpu.dma_semaphore, #tpu.memory_space<semaphore_mem>>) src(%dma_wait3A_131 : memref<16x640xf32, #tpu.memory_space<vmem_shared>>) dst(%arg12 : memref<16x640xf32, #tpu.memory_space<vmem>>)
      tpu.yield
    }) : () -> ()
    %scan3A_72 = arith.constant 0 : i32
    %scan3A_73 = arith.constant 0 : i32
    %scan3A_74 = arith.constant 40 : i32
    %scan3A_75 = arith.addi %scan3A_73, %scan3A_74 : i32
    %scan3A_76 = arith.constant 1 : i32
    %scan3A_77 = scf.for %scan3A_124 = %scan3A_73 to %scan3A_75 step %scan3A_76 iter_args(%scan3A_125 = %scan3A_72) -> (i32)  : i32 {
      %mul3A_126 = arith.constant 16 : i32
      %mul3A_127 = arith.muli %scan3A_124, %mul3A_126 : i32
      %broadcast_in_dim3A_128 = arith.constant 1.000000e+00 : f32
      %broadcast_in_dim3A_129 = vector.broadcast %broadcast_in_dim3A_128 : f32 to vector<16xf32>
      %get3A = arith.constant 0 : i32
      %get3A_130 = arith.index_cast %get3A : i32 to index
      %get3A_131 = arith.index_cast %mul3A_127 : i32 to index
      %get3A_132 = tpu.vector_load %arg12[%get3A_130, %get3A_131] {strides = array<i32>} : memref<16x640xf32, #tpu.memory_space<vmem>>, vector<16xf32>,
      %add3A_133 = arith.addf %broadcast_in_dim3A_129, %get3A_132 : vector<16xf32>
      %get3A_134 = arith.constant 1 : i32
      %get3A_135 = arith.index_cast %get3A_134 : i32 to index
      %get3A_136 = arith.index_cast %mul3A_127 : i32 to index
      %get3A_137 = tpu.vector_load %arg12[%get3A_135, %get3A_136] {strides = array<i32>} : memref<16x640xf32, #tpu.memory_space<vmem>>, vector<16xf32>,
      %add3A_138 = arith.addf %add3A_133, %get3A_137 : vector<16xf32>
      %get3A_139 = arith.constant 2 : i32
      %get3A_140 = arith.index_cast %get3A_139 : i32 to index
      %get3A_141 = arith.index_cast %mul3A_127 : i32 to index
      %get3A_142 = tpu.vector_load %arg12[%get3A_140, %get3A_141] {strides = array<i32>} : memref<16x640xf32, #tpu.memory_space<vmem>>, vector<16xf32>,
      %add3A_143 = arith.addf %add3A_138, %get3A_142 : vector<16xf32>
      %get3A_144 = arith.constant 3 : i32
      %get3A_145 = arith.index_cast %get3A_144 : i32 to index
      %get3A_146 = arith.index_cast %mul3A_127 : i32 to index
      %get3A_147 = tpu.vector_load %arg12[%get3A_145, %get3A_146] {strides = array<i32>} : memref<16x640xf32, #tpu.memory_space<vmem>>, vector<16xf32>,
      %add3A_148 = arith.addf %add3A_143, %get3A_147 : vector<16xf32>
      %get3A_149 = arith.constant 4 : i32
      %get3A_150 = arith.index_cast %get3A_149 : i32 to index
      %get3A_151 = arith.index_cast %mul3A_127 : i32 to index
      %get3A_152 = tpu.vector_load %arg12[%get3A_150, %get3A_151] {strides = array<i32>} : memref<16x640xf32, #tpu.memory_space<vmem>>, vector<16xf32>,
      %add3A_153 = arith.addf %add3A_148, %get3A_152 : vector<16xf32>
      %get3A_154 = arith.constant 5 : i32
      %get3A_155 = arith.index_cast %get3A_154 : i32 to index
      %get3A_156 = arith.index_cast %mul3A_127 : i32 to index
      %get3A_157 = tpu.vector_load %arg12[%get3A_155, %get3A_156] {strides = array<i32>} : memref<16x640xf32, #tpu.memory_space<vmem>>, vector<16xf32>,
      %add3A_158 = arith.addf %add3A_153, %get3A_157 : vector<16xf32>
      %get3A_159 = arith.constant 6 : i32
      %get3A_160 = arith.index_cast %get3A_159 : i32 to index
      %get3A_161 = arith.index_cast %mul3A_127 : i32 to index
      %get3A_162 = tpu.vector_load %arg12[%get3A_160, %get3A_161] {strides = array<i32>} : memref<16x640xf32, #tpu.memory_space<vmem>>, vector<16xf32>,
      %add3A_163 = arith.addf %add3A_158, %get3A_162 : vector<16xf32>
      %get3A_164 = arith.constant 7 : i32
      %get3A_165 = arith.index_cast %get3A_164 : i32 to index
      %get3A_166 = arith.index_cast %mul3A_127 : i32 to index
      %get3A_167 = tpu.vector_load %arg12[%get3A_165, %get3A_166] {strides = array<i32>} : memref<16x640xf32, #tpu.memory_space<vmem>>, vector<16xf32>,
      %add3A_168 = arith.addf %add3A_163, %get3A_167 : vector<16xf32>
      %get3A_169 = arith.constant 8 : i32
      %get3A_170 = arith.index_cast %get3A_169 : i32 to index
      %get3A_171 = arith.index_cast %mul3A_127 : i32 to index
      %get3A_172 = tpu.vector_load %arg12[%get3A_170, %get3A_171] {strides = array<i32>} : memref<16x640xf32, #tpu.memory_space<vmem>>, vector<16xf32>,
      %add3A_173 = arith.addf %add3A_168, %get3A_172 : vector<16xf32>
      %get3A_174 = arith.constant 9 : i32
      %get3A_175 = arith.index_cast %get3A_174 : i32 to index
      %get3A_176 = arith.index_cast %mul3A_127 : i32 to index
      %get3A_177 = tpu.vector_load %arg12[%get3A_175, %get3A_176] {strides = array<i32>} : memref<16x640xf32, #tpu.memory_space<vmem>>, vector<16xf32>,
      %add3A_178 = arith.addf %add3A_173, %get3A_177 : vector<16xf32>
      %get3A_179 = arith.constant 10 : i32
      %get3A_180 = arith.index_cast %get3A_179 : i32 to index
      %get3A_181 = arith.index_cast %mul3A_127 : i32 to index
      %get3A_182 = tpu.vector_load %arg12[%get3A_180, %get3A_181] {strides = array<i32>} : memref<16x640xf32, #tpu.memory_space<vmem>>, vector<16xf32>,
      %add3A_183 = arith.addf %add3A_178, %get3A_182 : vector<16xf32>
      %get3A_184 = arith.constant 11 : i32
      %get3A_185 = arith.index_cast %get3A_184 : i32 to index
      %get3A_186 = arith.index_cast %mul3A_127 : i32 to index
      %get3A_187 = tpu.vector_load %arg12[%get3A_185, %get3A_186] {strides = array<i32>} : memref<16x640xf32, #tpu.memory_space<vmem>>, vector<16xf32>,
      %add3A_188 = arith.addf %add3A_183, %get3A_187 : vector<16xf32>
      %get3A_189 = arith.constant 12 : i32
      %get3A_190 = arith.index_cast %get3A_189 : i32 to index
      %get3A_191 = arith.index_cast %mul3A_127 : i32 to index
      %get3A_192 = tpu.vector_load %arg12[%get3A_190, %get3A_191] {strides = array<i32>} : memref<16x640xf32, #tpu.memory_space<vmem>>, vector<16xf32>,
      %add3A_193 = arith.addf %add3A_188, %get3A_192 : vector<16xf32>
      %get3A_194 = arith.constant 13 : i32
      %get3A_195 = arith.index_cast %get3A_194 : i32 to index
      %get3A_196 = arith.index_cast %mul3A_127 : i32 to index
      %get3A_197 = tpu.vector_load %arg12[%get3A_195, %get3A_196] {strides = array<i32>} : memref<16x640xf32, #tpu.memory_space<vmem>>, vector<16xf32>,
      %add3A_198 = arith.addf %add3A_193, %get3A_197 : vector<16xf32>
      %get3A_199 = arith.constant 14 : i32
      %get3A_200 = arith.index_cast %get3A_199 : i32 to index
      %get3A_201 = arith.index_cast %mul3A_127 : i32 to index
      %get3A_202 = tpu.vector_load %arg12[%get3A_200, %get3A_201] {strides = array<i32>} : memref<16x640xf32, #tpu.memory_space<vmem>>, vector<16xf32>,
      %add3A_203 = arith.addf %add3A_198, %get3A_202 : vector<16xf32>
      %get3A_204 = arith.constant 15 : i32
      %get3A_205 = arith.index_cast %get3A_204 : i32 to index
      %get3A_206 = arith.index_cast %mul3A_127 : i32 to index
      %get3A_207 = tpu.vector_load %arg12[%get3A_205, %get3A_206] {strides = array<i32>} : memref<16x640xf32, #tpu.memory_space<vmem>>, vector<16xf32>,
      %add3A_208 = arith.addf %add3A_203, %get3A_207 : vector<16xf32>
      %bitcast3A = vector.bitcast %add3A_208 : vector<16xf32> to vector<16xi32>
      %shift_right_arithmetic3A = arith.constant 1 : i32
      %shift_right_arithmetic3A_209 = vector.broadcast %shift_right_arithmetic3A : i32 to vector<16xi32>
      %shift_right_arithmetic3A_210 = arith.shrsi %bitcast3A, %shift_right_arithmetic3A_209 : vector<16xi32>
      %sub3A = arith.constant 1597463007 : i32
      %sub3A_211 = vector.broadcast %sub3A : i32 to vector<16xi32>
      %sub3A_212 = arith.subi %sub3A_211, %shift_right_arithmetic3A_210 : vector<16xi32>
      %bitcast3A_213 = vector.bitcast %sub3A_212 : vector<16xi32> to vector<16xf32>
      %mul3A_214 = arith.constant 5.000000e-01 : f32
      %mul3A_215 = vector.broadcast %mul3A_214 : f32 to vector<16xf32>
      %mul3A_216 = arith.mulf %mul3A_215, %add3A_208 : vector<16xf32>
      %mul3A_217 = arith.mulf %mul3A_216, %bitcast3A_213 : vector<16xf32>
      %mul3A_218 = arith.mulf %mul3A_217, %bitcast3A_213 : vector<16xf32>
      %sub3A_219 = arith.constant 1.500000e+00 : f32
      %sub3A_220 = vector.broadcast %sub3A_219 : f32 to vector<16xf32>
      %sub3A_221 = arith.subf %sub3A_220, %mul3A_218 : vector<16xf32>
      %mul3A_222 = arith.mulf %bitcast3A_213, %sub3A_221 : vector<16xf32>
      %mul3A_223 = arith.constant 5.000000e-01 : f32
      %mul3A_224 = vector.broadcast %mul3A_223 : f32 to vector<16xf32>
      %mul3A_225 = arith.mulf %mul3A_224, %add3A_208 : vector<16xf32>
      %mul3A_226 = arith.mulf %mul3A_225, %mul3A_222 : vector<16xf32>
      %mul3A_227 = arith.mulf %mul3A_226, %mul3A_222 : vector<16xf32>
      %sub3A_228 = arith.constant 1.500000e+00 : f32
      %sub3A_229 = vector.broadcast %sub3A_228 : f32 to vector<16xf32>
      %sub3A_230 = arith.subf %sub3A_229, %mul3A_227 : vector<16xf32>
      %mul3A_231 = arith.mulf %mul3A_222, %sub3A_230 : vector<16xf32>
      %mul3A_232 = arith.constant 5.000000e-01 : f32
      %mul3A_233 = vector.broadcast %mul3A_232 : f32 to vector<16xf32>
      %mul3A_234 = arith.mulf %mul3A_233, %add3A_208 : vector<16xf32>
      %mul3A_235 = arith.mulf %mul3A_234, %mul3A_231 : vector<16xf32>
      %mul3A_236 = arith.mulf %mul3A_235, %mul3A_231 : vector<16xf32>
      %sub3A_237 = arith.constant 1.500000e+00 : f32
      %sub3A_238 = vector.broadcast %sub3A_237 : f32 to vector<16xf32>
      %sub3A_239 = arith.subf %sub3A_238, %mul3A_236 : vector<16xf32>
      %mul3A_240 = arith.mulf %mul3A_231, %sub3A_239 : vector<16xf32>
      %swap3A = arith.index_cast %mul3A_127 : i32 to index
      %swap3A_241 = tpu.vector_load %arg14[%swap3A] {strides = array<i32>} : memref<640xf32, #tpu.memory_space<vmem>>, vector<16xf32>,
      tpu.vector_store %arg14[%swap3A], %mul3A_240 {strides = array<i32>} : memref<640xf32, #tpu.memory_space<vmem>>, vector<16xf32>,
      %get3A_242 = arith.index_cast %mul3A_127 : i32 to index
      %get3A_243 = tpu.vector_load %arg13[%get3A_242] {strides = array<i32>} : memref<640xf32, #tpu.memory_space<vmem>>, vector<16xf32>,
      %mul3A_244 = arith.mulf %mul3A_240, %get3A_243 : vector<16xf32>
      %swap3A_245 = arith.index_cast %mul3A_127 : i32 to index
      %swap3A_246 = tpu.vector_load %arg15[%swap3A_245] {strides = array<i32>} : memref<640xf32, #tpu.memory_space<vmem>>, vector<16xf32>,
      tpu.vector_store %arg15[%swap3A_245], %mul3A_244 {strides = array<i32>} : memref<640xf32, #tpu.memory_space<vmem>>, vector<16xf32>,
      %scan3A_247 = arith.constant 0 : i32
      scf.yield %scan3A_247 : i32
    }
    %scan3A_78 = arith.constant 40 : i32
    "tpu.region"() ({
      %run_scoped3A = tpu.sem_alloc : memref<!tpu.dma_semaphore, #tpu.memory_space<semaphore_mem>>
      %dma_start3A_124 = tpu.memref_slice %arg17[%mul3A_0] : memref<10240xf32, #tpu.memory_space<vmem_shared>> -> memref<640xf32, #tpu.memory_space<vmem_shared>>
      %dma_start3A_125 = tpu.memref_slice %arg17[%mul3A_0] : memref<10240xf32, #tpu.memory_space<vmem_shared>> -> memref<640xf32, #tpu.memory_space<vmem_shared>>
      tpu.enqueue_dma source(%arg15 : memref<640xf32, #tpu.memory_space<vmem>>) target(%dma_start3A_125 : memref<640xf32, #tpu.memory_space<vmem_shared>>) target_semaphore(%run_scoped3A : memref<!tpu.dma_semaphore, #tpu.memory_space<semaphore_mem>>)
      %dma_wait3A_126 = tpu.memref_slice %arg17[%mul3A_0] : memref<10240xf32, #tpu.memory_space<vmem_shared>> -> memref<640xf32, #tpu.memory_space<vmem_shared>>
      %dma_wait3A_127 = tpu.memref_slice %arg17[%mul3A_0] : memref<10240xf32, #tpu.memory_space<vmem_shared>> -> memref<640xf32, #tpu.memory_space<vmem_shared>>
      tpu.wait_dma2 semaphore(%run_scoped3A : memref<!tpu.dma_semaphore, #tpu.memory_space<semaphore_mem>>) src(%arg15 : memref<640xf32, #tpu.memory_space<vmem>>) dst(%dma_wait3A_127 : memref<640xf32, #tpu.memory_space<vmem_shared>>)
      tpu.yield
    }) : () -> ()
    %eq3A_79 = arith.constant 0 : i32
    %eq3A_80 = arith.cmpi eq, %arg0, %eq3A_79 : i32
    %convert_element_type3A_81 = arith.extui %eq3A_80 : i1 to i32
    %cond3A_82 = arith.constant 0 : i32
    %cond3A_83 = arith.cmpi ne, %convert_element_type3A_81, %cond3A_82 : i32
    scf.if %cond3A_83 {
      "tpu.region"() ({
        %run_scoped3A = tpu.sem_alloc : memref<!tpu.dma_semaphore, #tpu.memory_space<semaphore_mem>>
        %dma_start3A_124 = tpu.memref_slice %arg6[%mul3A_0] : memref<10240xf32, #tpu.memory_space<hbm>> -> memref<640xf32, #tpu.memory_space<hbm>>
        %dma_start3A_125 = tpu.memref_slice %arg6[%mul3A_0] : memref<10240xf32, #tpu.memory_space<hbm>> -> memref<640xf32, #tpu.memory_space<hbm>>
        tpu.enqueue_dma source(%arg14 : memref<640xf32, #tpu.memory_space<vmem>>) target(%dma_start3A_125 : memref<640xf32, #tpu.memory_space<hbm>>) target_semaphore(%run_scoped3A : memref<!tpu.dma_semaphore, #tpu.memory_space<semaphore_mem>>)
        %dma_wait3A_126 = tpu.memref_slice %arg6[%mul3A_0] : memref<10240xf32, #tpu.memory_space<hbm>> -> memref<640xf32, #tpu.memory_space<hbm>>
        %dma_wait3A_127 = tpu.memref_slice %arg6[%mul3A_0] : memref<10240xf32, #tpu.memory_space<hbm>> -> memref<640xf32, #tpu.memory_space<hbm>>
        tpu.wait_dma2 semaphore(%run_scoped3A : memref<!tpu.dma_semaphore, #tpu.memory_space<semaphore_mem>>) src(%arg14 : memref<640xf32, #tpu.memory_space<vmem>>) dst(%dma_wait3A_127 : memref<640xf32, #tpu.memory_space<hbm>>)
        tpu.yield
      }) : () -> ()
      "tpu.region"() ({
        %run_scoped3A = tpu.sem_alloc : memref<!tpu.dma_semaphore, #tpu.memory_space<semaphore_mem>>
        %dma_start3A_124 = tpu.memref_slice %arg7[%mul3A_0] : memref<10240xf32, #tpu.memory_space<hbm>> -> memref<640xf32, #tpu.memory_space<hbm>>
        %dma_start3A_125 = tpu.memref_slice %arg7[%mul3A_0] : memref<10240xf32, #tpu.memory_space<hbm>> -> memref<640xf32, #tpu.memory_space<hbm>>
        tpu.enqueue_dma source(%arg15 : memref<640xf32, #tpu.memory_space<vmem>>) target(%dma_start3A_125 : memref<640xf32, #tpu.memory_space<hbm>>) target_semaphore(%run_scoped3A : memref<!tpu.dma_semaphore, #tpu.memory_space<semaphore_mem>>)
        %dma_wait3A_126 = tpu.memref_slice %arg7[%mul3A_0] : memref<10240xf32, #tpu.memory_space<hbm>> -> memref<640xf32, #tpu.memory_space<hbm>>
        %dma_wait3A_127 = tpu.memref_slice %arg7[%mul3A_0] : memref<10240xf32, #tpu.memory_space<hbm>> -> memref<640xf32, #tpu.memory_space<hbm>>
        tpu.wait_dma2 semaphore(%run_scoped3A : memref<!tpu.dma_semaphore, #tpu.memory_space<semaphore_mem>>) src(%arg15 : memref<640xf32, #tpu.memory_space<vmem>>) dst(%dma_wait3A_127 : memref<640xf32, #tpu.memory_space<hbm>>)
        tpu.yield
      }) : () -> ()
    } else {
    }
    %barrier3A_84 = arith.constant 0 : index
    tpu.barrier barrier_id(%barrier3A_84)
    tpu.enqueue_dma source(%arg17 : memref<10240xf32, #tpu.memory_space<vmem_shared>>) target(%arg11 : memref<10240xf32, #tpu.memory_space<vmem>>) target_semaphore(%arg20 : memref<!tpu.dma_semaphore, #tpu.memory_space<semaphore_mem>>)
    %scan3A_85 = arith.constant 0 : i32
    %scan3A_86 = arith.constant 0 : i32
    %scan3A_87 = arith.constant 80 : i32
    %scan3A_88 = arith.addi %scan3A_86, %scan3A_87 : i32
    %scan3A_89 = arith.constant 1 : i32
    %scan3A_90 = scf.for %scan3A_124 = %scan3A_86 to %scan3A_88 step %scan3A_89 iter_args(%scan3A_125 = %scan3A_85) -> (i32)  : i32 {
      %mul3A_126 = arith.constant 8 : i32
      %mul3A_127 = arith.muli %scan3A_124, %mul3A_126 : i32
      %add3A_128 = arith.constant 0 : i32
      %add3A_129 = arith.addi %mul3A_127, %add3A_128 : i32
      %mul3A_130 = arith.constant 16 : i32
      %mul3A_131 = arith.muli %add3A_129, %mul3A_130 : i32
      %swap3A = arith.index_cast %mul3A_131 : i32 to index
      %swap3A_132 = tpu.vector_load %arg10[%swap3A] {strides = array<i32>} : memref<10240xf32, #tpu.memory_space<vmem>>, vector<16xf32>,
      tpu.vector_store %arg10[%swap3A], %broadcast_in_dim3A_3 {strides = array<i32>} : memref<10240xf32, #tpu.memory_space<vmem>>, vector<16xf32>,
      %mul3A_133 = arith.constant 8 : i32
      %mul3A_134 = arith.muli %scan3A_124, %mul3A_133 : i32
      %add3A_135 = arith.constant 1 : i32
      %add3A_136 = arith.addi %mul3A_134, %add3A_135 : i32
      %mul3A_137 = arith.constant 16 : i32
      %mul3A_138 = arith.muli %add3A_136, %mul3A_137 : i32
      %swap3A_139 = arith.index_cast %mul3A_138 : i32 to index
      %swap3A_140 = tpu.vector_load %arg10[%swap3A_139] {strides = array<i32>} : memref<10240xf32, #tpu.memory_space<vmem>>, vector<16xf32>,
      tpu.vector_store %arg10[%swap3A_139], %broadcast_in_dim3A_3 {strides = array<i32>} : memref<10240xf32, #tpu.memory_space<vmem>>, vector<16xf32>,
      %mul3A_141 = arith.constant 8 : i32
      %mul3A_142 = arith.muli %scan3A_124, %mul3A_141 : i32
      %add3A_143 = arith.constant 2 : i32
      %add3A_144 = arith.addi %mul3A_142, %add3A_143 : i32
      %mul3A_145 = arith.constant 16 : i32
      %mul3A_146 = arith.muli %add3A_144, %mul3A_145 : i32
      %swap3A_147 = arith.index_cast %mul3A_146 : i32 to index
      %swap3A_148 = tpu.vector_load %arg10[%swap3A_147] {strides = array<i32>} : memref<10240xf32, #tpu.memory_space<vmem>>, vector<16xf32>,
      tpu.vector_store %arg10[%swap3A_147], %broadcast_in_dim3A_3 {strides = array<i32>} : memref<10240xf32, #tpu.memory_space<vmem>>, vector<16xf32>,
      %mul3A_149 = arith.constant 8 : i32
      %mul3A_150 = arith.muli %scan3A_124, %mul3A_149 : i32
      %add3A_151 = arith.constant 3 : i32
      %add3A_152 = arith.addi %mul3A_150, %add3A_151 : i32
      %mul3A_153 = arith.constant 16 : i32
      %mul3A_154 = arith.muli %add3A_152, %mul3A_153 : i32
      %swap3A_155 = arith.index_cast %mul3A_154 : i32 to index
      %swap3A_156 = tpu.vector_load %arg10[%swap3A_155] {strides = array<i32>} : memref<10240xf32, #tpu.memory_space<vmem>>, vector<16xf32>,
      tpu.vector_store %arg10[%swap3A_155], %broadcast_in_dim3A_3 {strides = array<i32>} : memref<10240xf32, #tpu.memory_space<vmem>>, vector<16xf32>,
      %mul3A_157 = arith.constant 8 : i32
      %mul3A_158 = arith.muli %scan3A_124, %mul3A_157 : i32
      %add3A_159 = arith.constant 4 : i32
      %add3A_160 = arith.addi %mul3A_158, %add3A_159 : i32
      %mul3A_161 = arith.constant 16 : i32
      %mul3A_162 = arith.muli %add3A_160, %mul3A_161 : i32
      %swap3A_163 = arith.index_cast %mul3A_162 : i32 to index
      %swap3A_164 = tpu.vector_load %arg10[%swap3A_163] {strides = array<i32>} : memref<10240xf32, #tpu.memory_space<vmem>>, vector<16xf32>,
      tpu.vector_store %arg10[%swap3A_163], %broadcast_in_dim3A_3 {strides = array<i32>} : memref<10240xf32, #tpu.memory_space<vmem>>, vector<16xf32>,
      %mul3A_165 = arith.constant 8 : i32
      %mul3A_166 = arith.muli %scan3A_124, %mul3A_165 : i32
      %add3A_167 = arith.constant 5 : i32
      %add3A_168 = arith.addi %mul3A_166, %add3A_167 : i32
      %mul3A_169 = arith.constant 16 : i32
      %mul3A_170 = arith.muli %add3A_168, %mul3A_169 : i32
      %swap3A_171 = arith.index_cast %mul3A_170 : i32 to index
      %swap3A_172 = tpu.vector_load %arg10[%swap3A_171] {strides = array<i32>} : memref<10240xf32, #tpu.memory_space<vmem>>, vector<16xf32>,
      tpu.vector_store %arg10[%swap3A_171], %broadcast_in_dim3A_3 {strides = array<i32>} : memref<10240xf32, #tpu.memory_space<vmem>>, vector<16xf32>,
      %mul3A_173 = arith.constant 8 : i32
      %mul3A_174 = arith.muli %scan3A_124, %mul3A_173 : i32
      %add3A_175 = arith.constant 6 : i32
      %add3A_176 = arith.addi %mul3A_174, %add3A_175 : i32
      %mul3A_177 = arith.constant 16 : i32
      %mul3A_178 = arith.muli %add3A_176, %mul3A_177 : i32
      %swap3A_179 = arith.index_cast %mul3A_178 : i32 to index
      %swap3A_180 = tpu.vector_load %arg10[%swap3A_179] {strides = array<i32>} : memref<10240xf32, #tpu.memory_space<vmem>>, vector<16xf32>,
      tpu.vector_store %arg10[%swap3A_179], %broadcast_in_dim3A_3 {strides = array<i32>} : memref<10240xf32, #tpu.memory_space<vmem>>, vector<16xf32>,
      %mul3A_181 = arith.constant 8 : i32
      %mul3A_182 = arith.muli %scan3A_124, %mul3A_181 : i32
      %add3A_183 = arith.constant 7 : i32
      %add3A_184 = arith.addi %mul3A_182, %add3A_183 : i32
      %mul3A_185 = arith.constant 16 : i32
      %mul3A_186 = arith.muli %add3A_184, %mul3A_185 : i32
      %swap3A_187 = arith.index_cast %mul3A_186 : i32 to index
      %swap3A_188 = tpu.vector_load %arg10[%swap3A_187] {strides = array<i32>} : memref<10240xf32, #tpu.memory_space<vmem>>, vector<16xf32>,
      tpu.vector_store %arg10[%swap3A_187], %broadcast_in_dim3A_3 {strides = array<i32>} : memref<10240xf32, #tpu.memory_space<vmem>>, vector<16xf32>,
      %scan3A_189 = arith.constant 0 : i32
      scf.yield %scan3A_189 : i32
    }
    %scan3A_91 = arith.constant 80 : i32
    tpu.wait_dma2 semaphore(%arg20 : memref<!tpu.dma_semaphore, #tpu.memory_space<semaphore_mem>>) src(%arg17 : memref<10240xf32, #tpu.memory_space<vmem_shared>>) dst(%arg11 : memref<10240xf32, #tpu.memory_space<vmem>>)
    %dma_wait3A_92 = arith.constant 0 : i32
    %dma_wait3A_93 = tpu.memref_slice %arg2[%dma_wait3A_92, %mul3A_30] : memref<2x320000xi32, #tpu.memory_space<hbm>> -> memref<1x10000xi32, #tpu.memory_space<hbm>>
    %dma_wait3A_94 = tpu.memref_squeeze %dma_wait3A_93 : memref<1x10000xi32, #tpu.memory_space<hbm>> -> memref<10000xi32, #tpu.memory_space<hbm>>
    %dma_wait3A_95 = tpu.memref_slice %arg2[%dma_wait3A_92, %mul3A_30] : memref<2x320000xi32, #tpu.memory_space<hbm>> -> memref<1x10000xi32, #tpu.memory_space<hbm>>
    %dma_wait3A_96 = tpu.memref_squeeze %dma_wait3A_95 : memref<1x10000xi32, #tpu.memory_space<hbm>> -> memref<10000xi32, #tpu.memory_space<hbm>>
    tpu.wait_dma2 semaphore(%arg19 : memref<!tpu.dma_semaphore, #tpu.memory_space<semaphore_mem>>) src(%dma_wait3A_96 : memref<10000xi32, #tpu.memory_space<hbm>>) dst(%arg9 : memref<10000xi32, #tpu.memory_space<vmem>>)
    %mul3A_97 = arith.constant 10000 : i32
    %mul3A_98 = arith.muli %arg0, %mul3A_97 : i32
    %scan3A_99 = arith.constant 0 : i32
    %scan3A_100 = arith.constant 0 : i32
    %scan3A_101 = arith.constant 125 : i32
    %scan3A_102 = arith.addi %scan3A_100, %scan3A_101 : i32
    %scan3A_103 = arith.constant 1 : i32
    %scan3A_104 = scf.for %scan3A_124 = %scan3A_100 to %scan3A_102 step %scan3A_103 iter_args(%scan3A_125 = %scan3A_99) -> (i32)  : i32 {
      %mul3A_126 = arith.constant 5 : i32
      %mul3A_127 = arith.muli %scan3A_124, %mul3A_126 : i32
      %add3A_128 = arith.constant 0 : i32
      %add3A_129 = arith.addi %mul3A_127, %add3A_128 : i32
      %mul3A_130 = arith.constant 16 : i32
      %mul3A_131 = arith.muli %add3A_129, %mul3A_130 : i32
      %mul3A_132 = arith.constant 5 : i32
      %mul3A_133 = arith.muli %scan3A_124, %mul3A_132 : i32
      %add3A_134 = arith.constant 1 : i32
      %add3A_135 = arith.addi %mul3A_133, %add3A_134 : i32
      %mul3A_136 = arith.constant 16 : i32
      %mul3A_137 = arith.muli %add3A_135, %mul3A_136 : i32
      %mul3A_138 = arith.constant 5 : i32
      %mul3A_139 = arith.muli %scan3A_124, %mul3A_138 : i32
      %add3A_140 = arith.constant 2 : i32
      %add3A_141 = arith.addi %mul3A_139, %add3A_140 : i32
      %mul3A_142 = arith.constant 16 : i32
      %mul3A_143 = arith.muli %add3A_141, %mul3A_142 : i32
      %mul3A_144 = arith.constant 5 : i32
      %mul3A_145 = arith.muli %scan3A_124, %mul3A_144 : i32
      %add3A_146 = arith.constant 3 : i32
      %add3A_147 = arith.addi %mul3A_145, %add3A_146 : i32
      %mul3A_148 = arith.constant 16 : i32
      %mul3A_149 = arith.muli %add3A_147, %mul3A_148 : i32
      %mul3A_150 = arith.constant 5 : i32
      %mul3A_151 = arith.muli %scan3A_124, %mul3A_150 : i32
      %add3A_152 = arith.constant 4 : i32
      %add3A_153 = arith.addi %mul3A_151, %add3A_152 : i32
      %mul3A_154 = arith.constant 16 : i32
      %mul3A_155 = arith.muli %add3A_153, %mul3A_154 : i32
      %get3A = arith.index_cast %mul3A_131 : i32 to index
      %get3A_156 = tpu.vector_load %arg9[%get3A] {strides = array<i32>} : memref<10000xi32, #tpu.memory_space<vmem>>, vector<16xi32>,
      %get3A_157 = arith.index_cast %mul3A_137 : i32 to index
      %get3A_158 = tpu.vector_load %arg9[%get3A_157] {strides = array<i32>} : memref<10000xi32, #tpu.memory_space<vmem>>, vector<16xi32>,
      %get3A_159 = arith.index_cast %mul3A_143 : i32 to index
      %get3A_160 = tpu.vector_load %arg9[%get3A_159] {strides = array<i32>} : memref<10000xi32, #tpu.memory_space<vmem>>, vector<16xi32>,
      %get3A_161 = arith.index_cast %mul3A_149 : i32 to index
      %get3A_162 = tpu.vector_load %arg9[%get3A_161] {strides = array<i32>} : memref<10000xi32, #tpu.memory_space<vmem>>, vector<16xi32>,
      %get3A_163 = arith.index_cast %mul3A_155 : i32 to index
      %get3A_164 = tpu.vector_load %arg9[%get3A_163] {strides = array<i32>} : memref<10000xi32, #tpu.memory_space<vmem>>, vector<16xi32>,
      %mul3A_165 = arith.constant 5 : i32
      %mul3A_166 = arith.muli %scan3A_124, %mul3A_165 : i32
      %add3A_167 = arith.constant 0 : i32
      %add3A_168 = arith.addi %mul3A_166, %add3A_167 : i32
      %mul3A_169 = arith.constant 16 : i32
      %mul3A_170 = arith.muli %add3A_168, %mul3A_169 : i32
      %add3A_171 = arith.addi %mul3A_98, %mul3A_170 : i32
      %get3A_172 = arith.index_cast %add3A_171 : i32 to index
      %get3A_173 = tpu.vector_load %arg8[%get3A_172] {strides = array<i32>} : memref<20000xi32, #tpu.memory_space<vmem>>, vector<16xi32>,
      %mul3A_174 = arith.constant 5 : i32
      %mul3A_175 = arith.muli %scan3A_124, %mul3A_174 : i32
      %add3A_176 = arith.constant 1 : i32
      %add3A_177 = arith.addi %mul3A_175, %add3A_176 : i32
      %mul3A_178 = arith.constant 16 : i32
      %mul3A_179 = arith.muli %add3A_177, %mul3A_178 : i32
      %add3A_180 = arith.addi %mul3A_98, %mul3A_179 : i32
      %get3A_181 = arith.index_cast %add3A_180 : i32 to index
      %get3A_182 = tpu.vector_load %arg8[%get3A_181] {strides = array<i32>} : memref<20000xi32, #tpu.memory_space<vmem>>, vector<16xi32>,
      %mul3A_183 = arith.constant 5 : i32
      %mul3A_184 = arith.muli %scan3A_124, %mul3A_183 : i32
      %add3A_185 = arith.constant 2 : i32
      %add3A_186 = arith.addi %mul3A_184, %add3A_185 : i32
      %mul3A_187 = arith.constant 16 : i32
      %mul3A_188 = arith.muli %add3A_186, %mul3A_187 : i32
      %add3A_189 = arith.addi %mul3A_98, %mul3A_188 : i32
      %get3A_190 = arith.index_cast %add3A_189 : i32 to index
      %get3A_191 = tpu.vector_load %arg8[%get3A_190] {strides = array<i32>} : memref<20000xi32, #tpu.memory_space<vmem>>, vector<16xi32>,
      %mul3A_192 = arith.constant 5 : i32
      %mul3A_193 = arith.muli %scan3A_124, %mul3A_192 : i32
      %add3A_194 = arith.constant 3 : i32
      %add3A_195 = arith.addi %mul3A_193, %add3A_194 : i32
      %mul3A_196 = arith.constant 16 : i32
      %mul3A_197 = arith.muli %add3A_195, %mul3A_196 : i32
      %add3A_198 = arith.addi %mul3A_98, %mul3A_197 : i32
      %get3A_199 = arith.index_cast %add3A_198 : i32 to index
      %get3A_200 = tpu.vector_load %arg8[%get3A_199] {strides = array<i32>} : memref<20000xi32, #tpu.memory_space<vmem>>, vector<16xi32>,
      %mul3A_201 = arith.constant 5 : i32
      %mul3A_202 = arith.muli %scan3A_124, %mul3A_201 : i32
      %add3A_203 = arith.constant 4 : i32
      %add3A_204 = arith.addi %mul3A_202, %add3A_203 : i32
      %mul3A_205 = arith.constant 16 : i32
      %mul3A_206 = arith.muli %add3A_204, %mul3A_205 : i32
      %add3A_207 = arith.addi %mul3A_98, %mul3A_206 : i32
      %get3A_208 = arith.index_cast %add3A_207 : i32 to index
      %get3A_209 = tpu.vector_load %arg8[%get3A_208] {strides = array<i32>} : memref<20000xi32, #tpu.memory_space<vmem>>, vector<16xi32>,
      %gather3A = tpu.vector_load_idx %arg11[%get3A_156] : memref<10240xf32, #tpu.memory_space<vmem>>[vector<16xi32>], vector<16xf32>,
      %gather3A_210 = tpu.vector_load_idx %arg11[%get3A_158] : memref<10240xf32, #tpu.memory_space<vmem>>[vector<16xi32>], vector<16xf32>,
      %gather3A_211 = tpu.vector_load_idx %arg11[%get3A_160] : memref<10240xf32, #tpu.memory_space<vmem>>[vector<16xi32>], vector<16xf32>,
      %gather3A_212 = tpu.vector_load_idx %arg11[%get3A_162] : memref<10240xf32, #tpu.memory_space<vmem>>[vector<16xi32>], vector<16xf32>,
      %gather3A_213 = tpu.vector_load_idx %arg11[%get3A_164] : memref<10240xf32, #tpu.memory_space<vmem>>[vector<16xi32>], vector<16xf32>,
      tpu.vector_store_idx %arg10[%get3A_173], %gather3A {add = true} : memref<10240xf32, #tpu.memory_space<vmem>>[vector<16xi32>], vector<16xf32>,
      tpu.vector_store_idx %arg10[%get3A_182], %gather3A_210 {add = true} : memref<10240xf32, #tpu.memory_space<vmem>>[vector<16xi32>], vector<16xf32>,
      tpu.vector_store_idx %arg10[%get3A_191], %gather3A_211 {add = true} : memref<10240xf32, #tpu.memory_space<vmem>>[vector<16xi32>], vector<16xf32>,
      tpu.vector_store_idx %arg10[%get3A_200], %gather3A_212 {add = true} : memref<10240xf32, #tpu.memory_space<vmem>>[vector<16xi32>], vector<16xf32>,
      tpu.vector_store_idx %arg10[%get3A_209], %gather3A_213 {add = true} : memref<10240xf32, #tpu.memory_space<vmem>>[vector<16xi32>], vector<16xf32>,
      %scan3A_214 = arith.constant 0 : i32
      scf.yield %scan3A_214 : i32
    }
    %scan3A_105 = arith.constant 125 : i32
    "tpu.region"() ({
      %run_scoped3A = tpu.sem_alloc : memref<!tpu.dma_semaphore, #tpu.memory_space<semaphore_mem>>
      %dma_start3A_124 = arith.constant 0 : i32
      %dma_start3A_125 = tpu.memref_slice %arg16[%arg1, %dma_start3A_124] : memref<16x10240xf32, #tpu.memory_space<vmem_shared>> -> memref<1x10240xf32, #tpu.memory_space<vmem_shared>>
      %dma_start3A_126 = tpu.memref_squeeze %dma_start3A_125 : memref<1x10240xf32, #tpu.memory_space<vmem_shared>> -> memref<10240xf32, #tpu.memory_space<vmem_shared>>
      %dma_start3A_127 = arith.constant 0 : i32
      %dma_start3A_128 = tpu.memref_slice %arg16[%arg1, %dma_start3A_127] : memref<16x10240xf32, #tpu.memory_space<vmem_shared>> -> memref<1x10240xf32, #tpu.memory_space<vmem_shared>>
      %dma_start3A_129 = tpu.memref_squeeze %dma_start3A_128 : memref<1x10240xf32, #tpu.memory_space<vmem_shared>> -> memref<10240xf32, #tpu.memory_space<vmem_shared>>
      tpu.enqueue_dma source(%arg10 : memref<10240xf32, #tpu.memory_space<vmem>>) target(%dma_start3A_129 : memref<10240xf32, #tpu.memory_space<vmem_shared>>) target_semaphore(%run_scoped3A : memref<!tpu.dma_semaphore, #tpu.memory_space<semaphore_mem>>)
      %dma_wait3A_130 = arith.constant 0 : i32
      %dma_wait3A_131 = tpu.memref_slice %arg16[%arg1, %dma_wait3A_130] : memref<16x10240xf32, #tpu.memory_space<vmem_shared>> -> memref<1x10240xf32, #tpu.memory_space<vmem_shared>>
      %dma_wait3A_132 = tpu.memref_squeeze %dma_wait3A_131 : memref<1x10240xf32, #tpu.memory_space<vmem_shared>> -> memref<10240xf32, #tpu.memory_space<vmem_shared>>
      %dma_wait3A_133 = arith.constant 0 : i32
      %dma_wait3A_134 = tpu.memref_slice %arg16[%arg1, %dma_wait3A_133] : memref<16x10240xf32, #tpu.memory_space<vmem_shared>> -> memref<1x10240xf32, #tpu.memory_space<vmem_shared>>
      %dma_wait3A_135 = tpu.memref_squeeze %dma_wait3A_134 : memref<1x10240xf32, #tpu.memory_space<vmem_shared>> -> memref<10240xf32, #tpu.memory_space<vmem_shared>>
      tpu.wait_dma2 semaphore(%run_scoped3A : memref<!tpu.dma_semaphore, #tpu.memory_space<semaphore_mem>>) src(%arg10 : memref<10240xf32, #tpu.memory_space<vmem>>) dst(%dma_wait3A_135 : memref<10240xf32, #tpu.memory_space<vmem_shared>>)
      tpu.yield
    }) : () -> ()
    %barrier3A_106 = arith.constant 0 : index
    tpu.barrier barrier_id(%barrier3A_106)
    "tpu.region"() ({
      %run_scoped3A = tpu.sem_alloc : memref<!tpu.dma_semaphore, #tpu.memory_space<semaphore_mem>>
      %dma_start3A_124 = arith.constant 0 : i32
      %dma_start3A_125 = tpu.memref_slice %arg16[%dma_start3A_124, %mul3A_0] : memref<16x10240xf32, #tpu.memory_space<vmem_shared>> -> memref<16x640xf32, #tpu.memory_space<vmem_shared>>
      %dma_start3A_126 = arith.constant 0 : i32
      %dma_start3A_127 = tpu.memref_slice %arg16[%dma_start3A_126, %mul3A_0] : memref<16x10240xf32, #tpu.memory_space<vmem_shared>> -> memref<16x640xf32, #tpu.memory_space<vmem_shared>>
      tpu.enqueue_dma source(%dma_start3A_127 : memref<16x640xf32, #tpu.memory_space<vmem_shared>>) target(%arg12 : memref<16x640xf32, #tpu.memory_space<vmem>>) target_semaphore(%run_scoped3A : memref<!tpu.dma_semaphore, #tpu.memory_space<semaphore_mem>>)
      %dma_wait3A_128 = arith.constant 0 : i32
      %dma_wait3A_129 = tpu.memref_slice %arg16[%dma_wait3A_128, %mul3A_0] : memref<16x10240xf32, #tpu.memory_space<vmem_shared>> -> memref<16x640xf32, #tpu.memory_space<vmem_shared>>
      %dma_wait3A_130 = arith.constant 0 : i32
      %dma_wait3A_131 = tpu.memref_slice %arg16[%dma_wait3A_130, %mul3A_0] : memref<16x10240xf32, #tpu.memory_space<vmem_shared>> -> memref<16x640xf32, #tpu.memory_space<vmem_shared>>
      tpu.wait_dma2 semaphore(%run_scoped3A : memref<!tpu.dma_semaphore, #tpu.memory_space<semaphore_mem>>) src(%dma_wait3A_131 : memref<16x640xf32, #tpu.memory_space<vmem_shared>>) dst(%arg12 : memref<16x640xf32, #tpu.memory_space<vmem>>)
      tpu.yield
    }) : () -> ()
    %scan3A_107 = arith.constant 0 : i32
    %scan3A_108 = arith.constant 0 : i32
    %scan3A_109 = arith.constant 40 : i32
    %scan3A_110 = arith.addi %scan3A_108, %scan3A_109 : i32
    %scan3A_111 = arith.constant 1 : i32
    %scan3A_112 = scf.for %scan3A_124 = %scan3A_108 to %scan3A_110 step %scan3A_111 iter_args(%scan3A_125 = %scan3A_107) -> (i32)  : i32 {
      %mul3A_126 = arith.constant 16 : i32
      %mul3A_127 = arith.muli %scan3A_124, %mul3A_126 : i32
      %broadcast_in_dim3A_128 = arith.constant 0.000000e+00 : f32
      %broadcast_in_dim3A_129 = vector.broadcast %broadcast_in_dim3A_128 : f32 to vector<16xf32>
      %get3A = arith.constant 0 : i32
      %get3A_130 = arith.index_cast %get3A : i32 to index
      %get3A_131 = arith.index_cast %mul3A_127 : i32 to index
      %get3A_132 = tpu.vector_load %arg12[%get3A_130, %get3A_131] {strides = array<i32>} : memref<16x640xf32, #tpu.memory_space<vmem>>, vector<16xf32>,
      %add3A_133 = arith.addf %broadcast_in_dim3A_129, %get3A_132 : vector<16xf32>
      %get3A_134 = arith.constant 1 : i32
      %get3A_135 = arith.index_cast %get3A_134 : i32 to index
      %get3A_136 = arith.index_cast %mul3A_127 : i32 to index
      %get3A_137 = tpu.vector_load %arg12[%get3A_135, %get3A_136] {strides = array<i32>} : memref<16x640xf32, #tpu.memory_space<vmem>>, vector<16xf32>,
      %add3A_138 = arith.addf %add3A_133, %get3A_137 : vector<16xf32>
      %get3A_139 = arith.constant 2 : i32
      %get3A_140 = arith.index_cast %get3A_139 : i32 to index
      %get3A_141 = arith.index_cast %mul3A_127 : i32 to index
      %get3A_142 = tpu.vector_load %arg12[%get3A_140, %get3A_141] {strides = array<i32>} : memref<16x640xf32, #tpu.memory_space<vmem>>, vector<16xf32>,
      %add3A_143 = arith.addf %add3A_138, %get3A_142 : vector<16xf32>
      %get3A_144 = arith.constant 3 : i32
      %get3A_145 = arith.index_cast %get3A_144 : i32 to index
      %get3A_146 = arith.index_cast %mul3A_127 : i32 to index
      %get3A_147 = tpu.vector_load %arg12[%get3A_145, %get3A_146] {strides = array<i32>} : memref<16x640xf32, #tpu.memory_space<vmem>>, vector<16xf32>,
      %add3A_148 = arith.addf %add3A_143, %get3A_147 : vector<16xf32>
      %get3A_149 = arith.constant 4 : i32
      %get3A_150 = arith.index_cast %get3A_149 : i32 to index
      %get3A_151 = arith.index_cast %mul3A_127 : i32 to index
      %get3A_152 = tpu.vector_load %arg12[%get3A_150, %get3A_151] {strides = array<i32>} : memref<16x640xf32, #tpu.memory_space<vmem>>, vector<16xf32>,
      %add3A_153 = arith.addf %add3A_148, %get3A_152 : vector<16xf32>
      %get3A_154 = arith.constant 5 : i32
      %get3A_155 = arith.index_cast %get3A_154 : i32 to index
      %get3A_156 = arith.index_cast %mul3A_127 : i32 to index
      %get3A_157 = tpu.vector_load %arg12[%get3A_155, %get3A_156] {strides = array<i32>} : memref<16x640xf32, #tpu.memory_space<vmem>>, vector<16xf32>,
      %add3A_158 = arith.addf %add3A_153, %get3A_157 : vector<16xf32>
      %get3A_159 = arith.constant 6 : i32
      %get3A_160 = arith.index_cast %get3A_159 : i32 to index
      %get3A_161 = arith.index_cast %mul3A_127 : i32 to index
      %get3A_162 = tpu.vector_load %arg12[%get3A_160, %get3A_161] {strides = array<i32>} : memref<16x640xf32, #tpu.memory_space<vmem>>, vector<16xf32>,
      %add3A_163 = arith.addf %add3A_158, %get3A_162 : vector<16xf32>
      %get3A_164 = arith.constant 7 : i32
      %get3A_165 = arith.index_cast %get3A_164 : i32 to index
      %get3A_166 = arith.index_cast %mul3A_127 : i32 to index
      %get3A_167 = tpu.vector_load %arg12[%get3A_165, %get3A_166] {strides = array<i32>} : memref<16x640xf32, #tpu.memory_space<vmem>>, vector<16xf32>,
      %add3A_168 = arith.addf %add3A_163, %get3A_167 : vector<16xf32>
      %get3A_169 = arith.constant 8 : i32
      %get3A_170 = arith.index_cast %get3A_169 : i32 to index
      %get3A_171 = arith.index_cast %mul3A_127 : i32 to index
      %get3A_172 = tpu.vector_load %arg12[%get3A_170, %get3A_171] {strides = array<i32>} : memref<16x640xf32, #tpu.memory_space<vmem>>, vector<16xf32>,
      %add3A_173 = arith.addf %add3A_168, %get3A_172 : vector<16xf32>
      %get3A_174 = arith.constant 9 : i32
      %get3A_175 = arith.index_cast %get3A_174 : i32 to index
      %get3A_176 = arith.index_cast %mul3A_127 : i32 to index
      %get3A_177 = tpu.vector_load %arg12[%get3A_175, %get3A_176] {strides = array<i32>} : memref<16x640xf32, #tpu.memory_space<vmem>>, vector<16xf32>,
      %add3A_178 = arith.addf %add3A_173, %get3A_177 : vector<16xf32>
      %get3A_179 = arith.constant 10 : i32
      %get3A_180 = arith.index_cast %get3A_179 : i32 to index
      %get3A_181 = arith.index_cast %mul3A_127 : i32 to index
      %get3A_182 = tpu.vector_load %arg12[%get3A_180, %get3A_181] {strides = array<i32>} : memref<16x640xf32, #tpu.memory_space<vmem>>, vector<16xf32>,
      %add3A_183 = arith.addf %add3A_178, %get3A_182 : vector<16xf32>
      %get3A_184 = arith.constant 11 : i32
      %get3A_185 = arith.index_cast %get3A_184 : i32 to index
      %get3A_186 = arith.index_cast %mul3A_127 : i32 to index
      %get3A_187 = tpu.vector_load %arg12[%get3A_185, %get3A_186] {strides = array<i32>} : memref<16x640xf32, #tpu.memory_space<vmem>>, vector<16xf32>,
      %add3A_188 = arith.addf %add3A_183, %get3A_187 : vector<16xf32>
      %get3A_189 = arith.constant 12 : i32
      %get3A_190 = arith.index_cast %get3A_189 : i32 to index
      %get3A_191 = arith.index_cast %mul3A_127 : i32 to index
      %get3A_192 = tpu.vector_load %arg12[%get3A_190, %get3A_191] {strides = array<i32>} : memref<16x640xf32, #tpu.memory_space<vmem>>, vector<16xf32>,
      %add3A_193 = arith.addf %add3A_188, %get3A_192 : vector<16xf32>
      %get3A_194 = arith.constant 13 : i32
      %get3A_195 = arith.index_cast %get3A_194 : i32 to index
      %get3A_196 = arith.index_cast %mul3A_127 : i32 to index
      %get3A_197 = tpu.vector_load %arg12[%get3A_195, %get3A_196] {strides = array<i32>} : memref<16x640xf32, #tpu.memory_space<vmem>>, vector<16xf32>,
      %add3A_198 = arith.addf %add3A_193, %get3A_197 : vector<16xf32>
      %get3A_199 = arith.constant 14 : i32
      %get3A_200 = arith.index_cast %get3A_199 : i32 to index
      %get3A_201 = arith.index_cast %mul3A_127 : i32 to index
      %get3A_202 = tpu.vector_load %arg12[%get3A_200, %get3A_201] {strides = array<i32>} : memref<16x640xf32, #tpu.memory_space<vmem>>, vector<16xf32>,
      %add3A_203 = arith.addf %add3A_198, %get3A_202 : vector<16xf32>
      %get3A_204 = arith.constant 15 : i32
      %get3A_205 = arith.index_cast %get3A_204 : i32 to index
      %get3A_206 = arith.index_cast %mul3A_127 : i32 to index
      %get3A_207 = tpu.vector_load %arg12[%get3A_205, %get3A_206] {strides = array<i32>} : memref<16x640xf32, #tpu.memory_space<vmem>>, vector<16xf32>,
      %add3A_208 = arith.addf %add3A_203, %get3A_207 : vector<16xf32>
      %swap3A = arith.index_cast %mul3A_127 : i32 to index
      %swap3A_209 = tpu.vector_load %arg15[%swap3A] {strides = array<i32>} : memref<640xf32, #tpu.memory_space<vmem>>, vector<16xf32>,
      tpu.vector_store %arg15[%swap3A], %add3A_208 {strides = array<i32>} : memref<640xf32, #tpu.memory_space<vmem>>, vector<16xf32>,
      %scan3A_210 = arith.constant 0 : i32
      scf.yield %scan3A_210 : i32
    }
    %scan3A_113 = arith.constant 40 : i32
    %eq3A_114 = arith.constant 0 : i32
    %eq3A_115 = arith.cmpi eq, %arg0, %eq3A_114 : i32
    %convert_element_type3A_116 = arith.extui %eq3A_115 : i1 to i32
    %cond3A_117 = arith.constant 0 : i32
    %cond3A_118 = arith.cmpi ne, %convert_element_type3A_116, %cond3A_117 : i32
    scf.if %cond3A_118 {
      "tpu.region"() ({
        %run_scoped3A = tpu.sem_alloc : memref<!tpu.dma_semaphore, #tpu.memory_space<semaphore_mem>>
        %dma_start3A_124 = tpu.memref_slice %arg4[%mul3A_0] : memref<10240xf32, #tpu.memory_space<hbm>> -> memref<640xf32, #tpu.memory_space<hbm>>
        %dma_start3A_125 = tpu.memref_slice %arg4[%mul3A_0] : memref<10240xf32, #tpu.memory_space<hbm>> -> memref<640xf32, #tpu.memory_space<hbm>>
        tpu.enqueue_dma source(%arg15 : memref<640xf32, #tpu.memory_space<vmem>>) target(%dma_start3A_125 : memref<640xf32, #tpu.memory_space<hbm>>) target_semaphore(%run_scoped3A : memref<!tpu.dma_semaphore, #tpu.memory_space<semaphore_mem>>)
        %dma_wait3A_126 = tpu.memref_slice %arg4[%mul3A_0] : memref<10240xf32, #tpu.memory_space<hbm>> -> memref<640xf32, #tpu.memory_space<hbm>>
        %dma_wait3A_127 = tpu.memref_slice %arg4[%mul3A_0] : memref<10240xf32, #tpu.memory_space<hbm>> -> memref<640xf32, #tpu.memory_space<hbm>>
        tpu.wait_dma2 semaphore(%run_scoped3A : memref<!tpu.dma_semaphore, #tpu.memory_space<semaphore_mem>>) src(%arg15 : memref<640xf32, #tpu.memory_space<vmem>>) dst(%dma_wait3A_127 : memref<640xf32, #tpu.memory_space<hbm>>)
        tpu.yield
      }) : () -> ()
    } else {
    }
    %eq3A_119 = arith.constant 1 : i32
    %eq3A_120 = arith.cmpi eq, %arg0, %eq3A_119 : i32
    %convert_element_type3A_121 = arith.extui %eq3A_120 : i1 to i32
    %cond3A_122 = arith.constant 0 : i32
    %cond3A_123 = arith.cmpi ne, %convert_element_type3A_121, %cond3A_122 : i32
    scf.if %cond3A_123 {
      "tpu.region"() ({
        %run_scoped3A = tpu.sem_alloc : memref<!tpu.dma_semaphore, #tpu.memory_space<semaphore_mem>>
        %dma_start3A_124 = tpu.memref_slice %arg5[%mul3A_0] : memref<10240xf32, #tpu.memory_space<hbm>> -> memref<640xf32, #tpu.memory_space<hbm>>
        %dma_start3A_125 = tpu.memref_slice %arg5[%mul3A_0] : memref<10240xf32, #tpu.memory_space<hbm>> -> memref<640xf32, #tpu.memory_space<hbm>>
        tpu.enqueue_dma source(%arg15 : memref<640xf32, #tpu.memory_space<vmem>>) target(%dma_start3A_125 : memref<640xf32, #tpu.memory_space<hbm>>) target_semaphore(%run_scoped3A : memref<!tpu.dma_semaphore, #tpu.memory_space<semaphore_mem>>)
        %dma_wait3A_126 = tpu.memref_slice %arg5[%mul3A_0] : memref<10240xf32, #tpu.memory_space<hbm>> -> memref<640xf32, #tpu.memory_space<hbm>>
        %dma_wait3A_127 = tpu.memref_slice %arg5[%mul3A_0] : memref<10240xf32, #tpu.memory_space<hbm>> -> memref<640xf32, #tpu.memory_space<hbm>>
        tpu.wait_dma2 semaphore(%run_scoped3A : memref<!tpu.dma_semaphore, #tpu.memory_space<semaphore_mem>>) src(%arg15 : memref<640xf32, #tpu.memory_space<vmem>>) dst(%dma_wait3A_127 : memref<640xf32, #tpu.memory_space<hbm>>)
        tpu.yield
      }) : () -> ()
    } else {
    }
    return
  }
}

module attributes {stable_mosaic.version = 14 : i64} {
  func.func @_proj_body(%arg0: i32, %arg1: memref<2048xf32, #tpu.memory_space<vmem>>, %arg2: memref<2048xf32, #tpu.memory_space<vmem>>, %arg3: memref<2048xf32, #tpu.memory_space<vmem>>, %arg4: memref<2048xf32, #tpu.memory_space<vmem>>, %arg5: memref<256x1xf32, #tpu.memory_space<vmem>>, %arg6: memref<256x1xf32, #tpu.memory_space<vmem>>, %arg7: memref<1x256xbf16, #tpu.memory_space<vmem>>, %arg8: memref<1x1xf32, #tpu.memory_space<vmem>>, %arg9: memref<1x2048xf32, #tpu.memory_space<vmem>>) attributes {dimension_semantics = [#tpu.dimension_semantics<arbitrary>], iteration_bounds = array<i64: 5>, scalar_prefetch = 0 : i64, scratch_operands = 0 : i64, tpu.core_type = #tpu.core_type<tc>, window_params = [{transform_indices = @transform_0, window_bounds = array<i64: 2048>}, {transform_indices = @transform_1, window_bounds = array<i64: 2048>}, {transform_indices = @transform_2, window_bounds = array<i64: 2048>}, {transform_indices = @transform_3, window_bounds = array<i64: 2048>}, {pipeline_mode = #tpu.pipeline_mode<synchronous>, transform_indices = @transform_4, window_bounds = array<i64: 256, 1>}, {pipeline_mode = #tpu.pipeline_mode<synchronous>, transform_indices = @transform_5, window_bounds = array<i64: 256, 1>}, {pipeline_mode = #tpu.pipeline_mode<synchronous>, transform_indices = @transform_6, window_bounds = array<i64: 1, 256>}, {pipeline_mode = #tpu.pipeline_mode<synchronous>, transform_indices = @transform_7, window_bounds = array<i64: 1, 1>}, {transform_indices = @transform_8, window_bounds = array<i64: 1, 2048>}]} {
    %get3A = arith.constant 0 : index
    %get3A_0 = vector.load %arg4[%get3A] : memref<2048xf32, #tpu.memory_space<vmem>>, vector<2048xf32>
    %get3A_1 = arith.constant 0 : index
    %get3A_2 = vector.load %arg1[%get3A_1] : memref<2048xf32, #tpu.memory_space<vmem>>, vector<2048xf32>
    %get3A_3 = arith.constant 0 : index
    %get3A_4 = vector.load %arg2[%get3A_3] : memref<2048xf32, #tpu.memory_space<vmem>>, vector<2048xf32>
    %add3A = arith.addf %get3A_2, %get3A_4 : vector<2048xf32>
    %get3A_5 = arith.constant 0 : index
    %get3A_6 = vector.load %arg3[%get3A_5] : memref<2048xf32, #tpu.memory_space<vmem>>, vector<2048xf32>
    %add3A_7 = arith.addf %add3A, %get3A_6 : vector<2048xf32>
    %mul3A = arith.mulf %get3A_0, %add3A_7 : vector<2048xf32>
    %get3A_8 = arith.constant 0 : index
    %get3A_9 = arith.constant 0 : index
    %get3A_10 = vector.load %arg5[%get3A_8, %get3A_9] : memref<256x1xf32, #tpu.memory_space<vmem>>, vector<256x1xf32>
    %broadcast_in_dim3A = vector.shape_cast %mul3A : vector<2048xf32> to vector<1x2048xf32>
    %mul3A_11 = vector.broadcast %get3A_10 : vector<256x1xf32> to vector<256x2048xf32>
    %mul3A_12 = vector.broadcast %broadcast_in_dim3A : vector<1x2048xf32> to vector<256x2048xf32>
    %mul3A_13 = arith.mulf %mul3A_11, %mul3A_12 : vector<256x2048xf32>
    %get3A_14 = arith.constant 0 : index
    %get3A_15 = arith.constant 0 : index
    %get3A_16 = vector.load %arg6[%get3A_14, %get3A_15] : memref<256x1xf32, #tpu.memory_space<vmem>>, vector<256x1xf32>
    %add3A_17 = vector.broadcast %get3A_16 : vector<256x1xf32> to vector<256x2048xf32>
    %add3A_18 = arith.addf %mul3A_13, %add3A_17 : vector<256x2048xf32>
    %convert_element_type3A = arith.truncf %add3A_18 : vector<256x2048xf32> to vector<256x2048xbf16>
    %get3A_19 = arith.constant 0 : index
    %get3A_20 = arith.constant 0 : index
    %get3A_21 = vector.load %arg7[%get3A_19, %get3A_20] : memref<1x256xbf16, #tpu.memory_space<vmem>>, vector<1x256xbf16>
    %dot_general3A = arith.constant dense<0.000000e+00> : vector<1x2048xf32>
    %dot_general3A_22 = tpu.matmul %get3A_21, %convert_element_type3A, %dot_general3A {dimension_numbers = #tpu.dot_dimension_numbers<[1], [0], [0], [1], [0, 0, 1, 1], [], []>, transpose_lhs_hint = false} : vector<1x256xbf16>, vector<256x2048xbf16>, vector<1x2048xf32> -> vector<1x2048xf32>
    %get3A_23 = arith.constant 0 : index
    %get3A_24 = arith.constant 0 : index
    %get3A_25 = vector.load %arg8[%get3A_23, %get3A_24] : memref<1x1xf32, #tpu.memory_space<vmem>>, vector<1x1xf32>
    %add3A_26 = vector.broadcast %get3A_25 : vector<1x1xf32> to vector<1x2048xf32>
    %add3A_27 = arith.addf %dot_general3A_22, %add3A_26 : vector<1x2048xf32>
    %swap3A = arith.constant 0 : index
    %swap3A_28 = arith.constant 0 : index
    %swap3A_29 = vector.load %arg9[%swap3A, %swap3A_28] : memref<1x2048xf32, #tpu.memory_space<vmem>>, vector<1x2048xf32>
    tpu.vector_store %arg9[%swap3A, %swap3A_28], %add3A_27 {strides = array<i32>} : memref<1x2048xf32, #tpu.memory_space<vmem>>, vector<1x2048xf32>,
    return
  }
  func.func @transform_0(%arg0: i32) -> i32 {
    %c0_i32 = arith.constant 0 : i32
    return %arg0 : i32
  }
  func.func @transform_1(%arg0: i32) -> i32 {
    %c0_i32 = arith.constant 0 : i32
    return %arg0 : i32
  }
  func.func @transform_2(%arg0: i32) -> i32 {
    %c0_i32 = arith.constant 0 : i32
    return %arg0 : i32
  }
  func.func @transform_3(%arg0: i32) -> i32 {
    %c0_i32 = arith.constant 0 : i32
    return %arg0 : i32
  }
  func.func @transform_4(%arg0: i32) -> (i32, i32) {
    %c0_i32 = arith.constant 0 : i32
    %c0_i32_0 = arith.constant 0 : i32
    %c0_i32_1 = arith.constant 0 : i32
    return %c0_i32, %c0_i32_0 : i32, i32
  }
  func.func @transform_5(%arg0: i32) -> (i32, i32) {
    %c0_i32 = arith.constant 0 : i32
    %c0_i32_0 = arith.constant 0 : i32
    %c0_i32_1 = arith.constant 0 : i32
    return %c0_i32, %c0_i32_0 : i32, i32
  }
  func.func @transform_6(%arg0: i32) -> (i32, i32) {
    %c0_i32 = arith.constant 0 : i32
    %c0_i32_0 = arith.constant 0 : i32
    %c0_i32_1 = arith.constant 0 : i32
    return %c0_i32, %c0_i32_0 : i32, i32
  }
  func.func @transform_7(%arg0: i32) -> (i32, i32) {
    %c0_i32 = arith.constant 0 : i32
    %c0_i32_0 = arith.constant 0 : i32
    %c0_i32_1 = arith.constant 0 : i32
    return %c0_i32, %c0_i32_0 : i32, i32
  }
  func.func @transform_8(%arg0: i32) -> (i32, i32) {
    %c0_i32 = arith.constant 0 : i32
    %c0_i32_0 = arith.constant 0 : i32
    return %c0_i32, %arg0 : i32, i32
  }
}

</mosaic_0001>

<sc_bundles>
// kernel: kernel.4.cloned.1.call-start
scs
__scs_entry_jumppad:
0x0: {  	(pc) =	sbr.rel $0x88, $3  }
0x1: {  	(tag) =	ssettag $0x0;
	lr =	simm.s32 $0x1  }
0x2: {  	[smem:$0x3F9B] =	sst lr;
	_ =	strace $0xD0000000  }
0x3: {  	_ = 	snop  }
0x4: {  	_ = 	snop  }
0x5: {  	_ = 	snop  }
0x6: {  	_ = 	snop  }
0x7: {  	_ = 	snop  }
__scs_overlays_trampoline_lowered:
0x8: {  	[smem:$0x3FAA] =	sst s0  }
0x9: {  	[smem:$0x3FAB] =	sst s1  }
0xa: {  	[smem:$0x3FAC] =	sst s2  }
0xb: {  	[smem:$0x3FAD] =	sst s3  }
0xc: {  	[smem:$0x3FAE] =	sst s4  }
0xd: {  	[smem:$0x3FAF] =	sst s5  }
0xe: {  	[smem:$0x3FB0] =	sst s6  }
0xf: {  	[smem:$0x3FB1] =	sst s7  }
0x10: {  	[smem:$0x3FB2] =	sst s8  }
0x11: {  	[smem:$0x3FB3] =	sst s9;
	s0 =	simm.s32 @!p0 $0x0  }
0x12: {  	s1 =	sld [smem:$0x3F99];
	s0 =	simm.s32 @p0 $0x1  }
0x13: {  	[smem:$0x3FB4] =	sst s0;
	s0 =	simm.s32 @!p1 $0x0  }
0x14: {  	s2 =	sld [smem:$0x3F98];
	s0 =	simm.s32 @p1 $0x1  }
0x15: {  	[smem:$0x3FB5] =	sst s0;
	s0 =	simm.s32 @!p2 $0x0  }
0x16: {  	s3 =	sld [smem:$0x3FDB];
	s0 =	simm.s32 @p2 $0x1  }
0x17: {  	s4 =	simm.s32 $0x1BF5;
	[smem:$0x3FB7] =	sst s0  }
0x18: {  	s0 =	sld [smem:$0x3F9A];
	_ =	swait.ge [sflag:s4], $0x0  }
0x19: {  	s7 =	sld [smem:$0x3F9B]  }
0x1a: {  	s8 =	sadd.s32 $0xFFFFE003, lr  }
0x1b: {  	s9 =	sadd.s32 $0xFFFFFEF7, lr;
	s5 =	simm.s32 $0xFFFFFFFF;
	p2 =	slt.u32 s8, $0xFFFFF086  }
0x1c: {  	p1 =	slt.u32 s9, $0xF7A;
	s5 =	simm.s32 @!p2 $0x0  }
0x1d: {  	s5 =	simm.s32 @p1 $0x1;
	p0 =	seq.s32 s7, s2  }
0x1e: {  	s7 =	smul.u32 @!p0 $0xF7A, s2;
	p2 =	seq.s32 @!p0 s5, $0x0  }
0x1f: {  	s9 =	smul.u32 $0xF7A, s1;
	s8 =	simm.s32 @!p0 $0x1BF5;
	p2 =	por !p2, p0  }
0x20: {  	[sflag:s8] =	ssyncset.s32 @!p0 $0xFFFFF086;
	s6 =	sadd.s32 @!p0 s3, s7;
	s7 =	simm.s32 @!p0 $0x108  }
0x21: {  	s3 =	sadd.s32 s3, s9;
	s6 =	sadd.s32 @!p0 $0x88, s6;
	s7 =	simm.s32 @p2 $0x1082  }
0x22: {  	[simem:s7], [sflag:s8] =	dma.local @!p0 [hbm:s6], $0xF7A  }
0x23: {  	s9 =	sor.u32 $0xD0000000, s2;
	s6 =	simm.s32 $0x108;
	_ =	swait.ge @!p0 [sflag:s8], $0x0  }
0x24: {  	s3 =	sadd.s32 $0x88, s3;
	s6 =	simm.s32 @!p1 $0x1082;
	[sflag:s4] =	ssyncset.s32 $0xFFFFF086  }
0x25: {  	[simem:s6], [sflag:s4] =	dma.local [hbm:s3], $0xF7A  }
0x26: {  	[smem:$0x3F9B] =	sst s1;
	(tag) =	ssettag s2;
	_ =	strace s9  }
0x27: {  	s1 =	sld [smem:$0x3FAB]  }
0x28: {  	s2 =	sld [smem:$0x3FAC]  }
0x29: {  	s4 =	sld [smem:$0x3FAE]  }
0x2a: {  	p0 =	seq.s32 s5, $0x0;
	s5 =	sld [smem:$0x3FAF]  }
0x2b: {  	s6 =	sld [smem:$0x3FB0]  }
0x2c: {  	s7 =	sld [smem:$0x3FB1]  }
0x2d: {  	s3 =	simm.s32 $0x108;
	s8 =	sld [smem:$0x3FB2]  }
0x2e: {  	s3 =	simm.s32 @!p0 $0x1082;
	s9 =	sld [smem:$0x3FB3]  }
0x2f: {  	lr =	sadd.s32 s0, s3;
	s0 =	sld [smem:$0x3FAA]  }
0x30: {  	s3 =	sld [smem:$0x3FAD]  }
0x31: {  	[smem:$0x3FB6] =	sst s10  }
0x32: {  	s10 =	sld [smem:$0x3FB4];
	_ =	sdelay $0x3  }
0x33: {  	p0 =	seq.s32 s10, $0x1;
	s10 =	sld [smem:$0x3FB6];
	_ =	sdelay $0x3  }
0x34: {  	[smem:$0x3FB6] =	sst s10  }
0x35: {  	s10 =	sld [smem:$0x3FB5];
	_ =	sdelay $0x3  }
0x36: {  	p1 =	seq.s32 s10, $0x1;
	s10 =	sld [smem:$0x3FB6];
	_ =	sdelay $0x3  }
0x37: {  	[smem:$0x3FB6] =	sst s10  }
0x38: {  	s10 =	sld [smem:$0x3FB7]  }
0x39: {  	_ = 	snop;
	(pc) =	sbr.ind lr, $3  }
0x3a: {  	_ = 	snop  }
0x3b: {  	_ = 	snop  }
0x3c: {  	p2 =	seq.s32 s10, $0x1;
	s10 =	sld [smem:$0x3FB6]  }
0x3d: {  	_ =	shalt  }
0x3e: {  	_ =	shalt  }
0x3f: {  	_ =	shalt  }
0x40: {  	_ =	shalt  }
0x41: {  	_ =	shalt  }
0x42: {  	_ =	shalt  }
0x43: {  	_ =	shalt  }
0x44: {  	_ =	shalt  }
0x45: {  	_ =	shalt  }
0x46: {  	_ =	shalt  }
0x47: {  	_ =	shalt  }
0x48: {  	_ =	shalt  }
0x49: {  	_ =	shalt  }
0x4a: {  	_ =	shalt  }
0x4b: {  	_ =	shalt  }
0x4c: {  	_ =	shalt  }
0x4d: {  	_ =	shalt  }
0x4e: {  	_ =	shalt  }
0x4f: {  	_ =	shalt  }
0x50: {  	_ =	shalt  }
0x51: {  	_ =	shalt  }
0x52: {  	_ =	shalt  }
0x53: {  	_ =	shalt  }
0x54: {  	_ =	shalt  }
0x55: {  	_ =	shalt  }
0x56: {  	_ =	shalt  }
0x57: {  	_ =	shalt  }
0x58: {  	_ =	shalt  }
0x59: {  	_ =	shalt  }
0x5a: {  	_ =	shalt  }
0x5b: {  	_ =	shalt  }
0x5c: {  	_ =	shalt  }
0x5d: {  	_ =	shalt  }
0x5e: {  	_ =	shalt  }
0x5f: {  	_ =	shalt  }
0x60: {  	_ =	shalt  }
0x61: {  	_ =	shalt  }
0x62: {  	_ =	shalt  }
0x63: {  	_ =	shalt  }
0x64: {  	_ =	shalt  }
0x65: {  	_ =	shalt  }
0x66: {  	_ =	shalt  }
0x67: {  	_ =	shalt  }
0x68: {  	_ =	shalt  }
0x69: {  	_ =	shalt  }
0x6a: {  	_ =	shalt  }
0x6b: {  	_ =	shalt  }
0x6c: {  	_ =	shalt  }
0x6d: {  	_ =	shalt  }
0x6e: {  	_ =	shalt  }
0x6f: {  	_ =	shalt  }
0x70: {  	_ =	shalt  }
0x71: {  	_ =	shalt  }
0x72: {  	_ =	shalt  }
0x73: {  	_ =	shalt  }
0x74: {  	_ =	shalt  }
0x75: {  	_ =	shalt  }
0x76: {  	_ =	shalt  }
0x77: {  	_ =	shalt  }
0x78: {  	_ =	shalt  }
0x79: {  	_ =	shalt  }
0x7a: {  	_ =	shalt  }
0x7b: {  	_ =	shalt  }
0x7c: {  	_ =	shalt  }
0x7d: {  	_ =	shalt  }
0x7e: {  	_ =	shalt  }
0x7f: {  	_ =	shalt  }
0x80: {  	_ =	shalt  }
0x81: {  	_ =	shalt  }
0x82: {  	_ =	shalt  }
0x83: {  	_ =	shalt  }
0x84: {  	_ =	shalt  }
0x85: {  	_ =	shalt  }
0x86: {  	_ =	shalt  }
0x87: {  	_ =	shalt  }
.Lfunc_end0:
.L_simem_size_0:
called_computation_lowered:
.L_overlay_start_0:
0x88: {  	s2 =	sld [smem:$0x3FD9]  }
0x89: {  	s3 =	sld [smem:$0x3FFE];
	_ =	sdelay $0x1  }
0x8a: {  	s1 =	srdreg.scid  }
0x8b: {  	s0 =	sand.u32 $0x1, s1  }
0x8c: {  	s17 =	sshll.u32 s0, $0xA;
	s2 =	sadd.s32 s3, s2  }
0x8d: {  	s2 =	sadd.s32 s2, s17  }
0x8e: {  	[smem:$0x3FC2] =	sst s2  }
0x8f: {  	_ = 	snop  }
0x90: {  	s2 =	sld [smem:$0x3FC9];
	(tm) =	ssettm $0x1  }
0x91: {  	s18 =	sld [smem:$0x3FFB];
	_ =	sdelay $0x3  }
0x92: {  	_ =	strace s18  }
0x93: {  	s3 =	sld [smem:$0x3FFC];
	_ =	sdelay $0x3  }
0x94: {  	_ =	strace s3  }
0x95: {  	s3 =	sld [smem:$0x3FFD];
	_ =	sdelay $0x3  }
0x96: {  	_ =	strace s3  }
0x97: {  	_ =	strace $0x8FFFFFFF  }
0x98: {  	s19 =	sld [smem:$0x3FDB];
	_ =	sdelay $0x1  }
0x99: {  	s4 =	simm.s32 $_scs_section_size  }
0x9a: {  	s5 =	simm.s32 $_size__tile_overlayer_lowered;
	s6 =	simm.s32 $_tile_overlayer_lowered  }
0x9b: {  	s22 =	simm.s32 $0x1BFF;
	s21 =	sshll.u32 s6, $0x1;
	s3 =	sadd.s32 s4, s19  }
0x9c: {  	s7 =	simm.s32 $0x0;
	s20 =	sshll.u32 s5, $0x1;
	s5 =	sadd.s32 s21, s3  }
0x9d: {  	[timem:s7], [sflag:s22] =	dma.local [hbm:s5], s20  }
0x9e: {  	_ =	swait.ge [sflag:s22], s20  }
0x9f: {  	s4 =	ssub.s32 $0x0, s20;
	[sflag:s22] =	ssyncset.done $0x0  }
0xa0: {  	[sflag:s22] =	ssyncadd.s32 s4;
	_ =	sdelay $0x1  }
0xa1: {  	s23 =	simm.s32 $0x1B8B  }
0xa2: {  	_ =	swait.ge [sflag:s23], $0x1  }
0xa3: {  	[sflag:s23] =	ssyncset.done $0x0  }
0xa4: {  	s25 =	simm.s32 $0x1B8E;
	s24 =	sld [smem:$0x3FFE];
	[sflag:s23] =	ssyncadd.s32 $0xFFFFFFFF  }
0xa5: {  	s26 =	simm.s32 $execute0_lowered;
	[smem:$0x3FD2] =	sst s25  }
0xa6: {  	s5 =	sshll.u32 s26, $0x1;
	_ =	strace $0x80000046;
	[dreg:$0x1] =	wrdreg $0xFFFFFFFF  }
0xa7: {  	s28 =	simm.s32 $_size_execute0_lowered;
	s3 =	sadd.s32 s3, s5;
	[dreg:$0x0] =	wrdreg $0x0  }
0xa8: {  	s5 =	sshll.u32 s28, $0x1;
	[dreg:$0x2] =	wrdreg s3  }
0xa9: {  	[dreg:$0x3] =	wrdreg s5  }
0xaa: {  	[dreg:$0x4] =	wrdreg $0xC0  }
0xab: {  	_ =	task [dreg:s7], $0x5FFFF  }
0xac: {  	[dreg:$0x1] =	wrdreg $0xFFFFFFFF  }
0xad: {  	[dreg:$0x0] =	wrdreg $0x60  }
0xae: {  	[dreg:$0x2] =	wrdreg s24  }
0xaf: {  	[dreg:$0x3] =	wrdreg s2  }
0xb0: {  	[dreg:$0x4] =	wrdreg $0xF4B00  }
0xb1: {  	[dreg:$0x5] =	wrdreg $0x11CB00  }
0xb2: {  	[dreg:$0x6] =	wrdreg $0x9  }
0xb3: {  	_ =	task.clear_ibuf [dreg:s7], $0x7FFFF;
	_ =	strace $0x90000046  }
0xb4: {  	s29 =	simm.s32 $0x9;
	_ =	strace $0x80000048  }
0xb5: {  	_ =	swait.ge [sflag:s29], $0x1  }
0xb6: {  	[sflag:s29] =	ssyncadd.s32 $0xFFFFFFFF  }
0xb7: {  	_ =	strace $0x90000048  }
0xb8: {  	_ =	sfence  }
0xb9: {  	s30 =	sld [smem:$0x0];
	_ =	sdelay $0x2  }
0xba: {  	s31 =	sshll.u32 s1, $0xD;
	s1 =	sshrl.u32 s1, $0x2  }
0xbb: {  	s3 =	sand.u32 $0x4000, s31;
	s1 =	sadd.s32 s1, s30  }
0xbc: {  	s0 =	sor.u32 s3, s0;
	s1 =	sshll.u32 s1, $0x11  }
0xbd: {  	s0 =	sor.u32 s1, s0  }
0xbe: {  	s0 =	sadd.s32 $0x8F2B, s0  }
0xbf: {  	[sflag:s0] =	ssyncadd.remote.s32 $0x1  }
0xc0: {  	_ =	sfence.sel $0xFFFF  }
0xc1: {  	[dreg:$0x0] =	wrdreg $0xFFFFFFFF;
	(pc) =	sbr.abs _section_cstart, $3  }
0xc2: {  	[dreg:$0x1] =	wrdreg $0xFFFFFFFF  }
0xc3: {  	_ =	task.clear_ibuf [dreg:s7], $0x2FFFF;
	_ =	strace $0x9FFFFFFF  }
0xc4: {  	(tm) =	ssettm $0x7FFFFFFF  }
0xc5: {  	_ =	shalt  }
tec
execute0_lowered:
.L_overlay_start_1:
0x0: {  	(tag) =	ssettag $0x1  }
0x1: {  	s0 =	rddreg [dreg:$0x0]  }
0x2: {  	s1 =	rddreg [dreg:$0x1]  }
0x3: {  	s2 =	rddreg [dreg:$0x2]  }
0x4: {  	s12 =	rddreg [dreg:$0x3]  }
0x5: {  	s3 =	simm.s32 $0x0;
	s16 =	stileid.u32;
	s4 =	srdreg.scid  }
0x6: {  	s17 =	simm.s32 $0x4E20;
	s18 =	simm.s32 $0x1;
	s19 =	simm.s32 $0x7530  }
0x7: {  	s20 =	simm.s32 $0x4;
	s21 =	simm.s32 $0x280;
	s22 =	simm.s32 $0x2800  }
0x8: {  	s23 =	simm.s32 $0xC530;
	s28 =	simm.s32 $0x2;
	s11 =	smul.u32 $0x280, s16  }
0x9: {  	s29 =	simm.s32 $0x0;
	[smem:$0x7FF] =	sst s3;
	s5 =	smul.u32 $0x2710, s16  }
0xa: {  	s24 =	sand.u32 $0x1, s4;
	s6 =	sadd.s32 $0x1600, s0;
	s10 =	smul.u32 $0xA000, s16  }
0xb: {  	_ =	strace $0x80000047;
	s4 =	sshll.u32 s24, $0x4;
	s8 =	ssub.s32 $0x2, s24  }
0xc: {  	s30 =	smul.u32 $0x9C40, s24;
	p0 =	seq.s32 s24, $0x0;
	p1 =	sne.s32 s24, $0x0  }
0xd: {  	s24 =	simm.s32 $0xF230;
	s7 =	sshrl.u32 s11, $0x3;
	s4 =	sor.u32 s16, s4  }
0xe: {  	s5 =	sshrl.u32 s5, $0x3;
	s25 =	sshrl.u32 s8, $0x1;
	s26 =	sshrl.u32 s10, $0x2  }
0xf: {  	s10 =	sadd.s32 s11, s2;
	s11 =	sadd.s32 s11, s12;
	s9 =	smul.u32 $0x4E2, s4  }
0x10: {  	s5 =	sadd.s32 s6, s5;
	s0 =	sadd.s32 s7, s0;
	s14 =	ssub.s32 s8, s25  }
0x11: {  	s7 =	sadd.s32 s1, s7;
	s8 =	sadd.s32 $0x4B0, s1;
	s1 =	sshrl.u32 s30, $0x2  }
0x12: {  	s25 =	simm.s32 $0x9D30;
	s4 =	sadd.s32 $0x9C40, s5;
	s5 =	sadd.s32 $0xEA60, s5  }
0x13: {  	s12 =	sadd.s32 $0x15C00, s0;
	s13 =	sadd.s32 $0x16200, s0;
	s14 =	smax.u32 s14, $0x1  }
0x14: {  	s6 =	sadd.s32 s6, s9;
	s9 =	sadd.s32 s26, s2;
	s2 =	simm.s32 $0x15000  }
0x15: {  	s31 =	sadd.s32 $0x20, s1;
	s26 =	simm.s32 $0x3;
	s2 =	simm.s32 @!p0 $0x15600  }
0x16: {  	v1 =	vimm.f32 $0.0e+00;
	v2 =	vimm.f32 $1.000000000e+00;
	v0 =	vmov s31;
	p0 =	seq.s32 s16, $0xF;
	s16 =	simm.s32 $0x2710;
	s15 =	sadd.s32 s2, s0  }
.LBB2_1:
0x17: {  	[tilespmem:s3], [sflag:$0x1] =	stream.linear.gather [hbm4b:s4+s3], $0x2710, $0x38;
	[tilespmem:$0x11F30] =	vst v63  }
0x18: {  	_ = 	snop  }
0x19: {  	[tilespmem:s16], [sflag:$0x1] =	stream.linear.gather [hbm4b:s5+s3], $0x2710, $0x38;
	[tilespmem:$0x11F30] =	vst v63  }
0x1a: {  	_ = 	snop  }
0x1b: {  	v3 =	vimm.f32 @p0 $0.0e+00;
	[tilespmem:s17], [sflag:$0x2] =	stream.linear.gather [hbm4b:s6+s3], $0x2710, $0x38;
	[tilespmem:$0x11F30] =	vst v63  }
0x1c: {  	[tilespmem:$0xEEC0] =	vst @p0 v3  }
0x1d: {  	[tilespmem:$0xEED0] =	vst @p0 v3  }
0x1e: {  	[tilespmem:$0xEEE0] =	vst @p0 v3  }
0x1f: {  	[tilespmem:$0xEEF0] =	vst @p0 v3  }
0x20: {  	[tilespmem:$0xEF00] =	vst @p0 v3  }
0x21: {  	[tilespmem:$0xEF10] =	vst @p0 v3  }
0x22: {  	[tilespmem:$0xEF20] =	vst @p0 v3  }
0x23: {  	[tilespmem:$0xEF30] =	vst @p0 v3  }
0x24: {  	[tilespmem:$0xEF40] =	vst @p0 v3  }
0x25: {  	[tilespmem:$0xEF50] =	vst @p0 v3  }
0x26: {  	[tilespmem:$0xEF60] =	vst @p0 v3  }
0x27: {  	[tilespmem:$0xEF70] =	vst @p0 v3  }
0x28: {  	[tilespmem:$0xEF80] =	vst @p0 v3  }
0x29: {  	[tilespmem:$0xEF90] =	vst @p0 v3  }
0x2a: {  	s0 =	simm.s32 @p0 $0x0;
	s1 =	simm.s32 @p0 $0xED30;
	[tilespmem:$0xEFA0] =	vst @p0 v3  }
0x2b: {  	[tilespmem:s1], [sflag:$0x4] =	stream.linear.gather @p0 [hbm4b:s8+s0], $0x190, $0x38;
	[tilespmem:$0x11F30] =	vst v63  }
0x2c: {  	s0 =	simm.s32 @p0 $0x4  }
0x2d: {  	_ =	swait.ge @p0 [sflag:s0], $0x190  }
0x2e: {  	[sflag:s0] =	ssyncset.done @p0 $0x0  }
0x2f: {  	s1 =	simm.s32 @!p0 $0xED30;
	[sflag:s0] =	ssyncadd.s32 @p0 $0xFFFFFE70;
	s0 =	simm.s32 @!p0 $0x0  }
0x30: {  	[tilespmem:s1], [sflag:$0x4] =	stream.linear.gather @!p0 [hbm4b:s7+s0], $0x280, $0x38;
	[tilespmem:$0x11F30] =	vst v63  }
0x31: {  	s0 =	simm.s32 @!p0 $0x4  }
0x32: {  	_ =	swait.ge @!p0 [sflag:s0], $0x280  }
0x33: {  	[sflag:s0] =	ssyncset.done @!p0 $0x0  }
0x34: {  	s1 =	simm.s32 $0x200;
	[sflag:s0] =	ssyncadd.s32 @!p0 $0xFFFFFD80;
	s0 =	simm.s32 $0x0  }
.LBB2_2:
0x35: {  	p2 =	sne.s32 s1, $0x9E00;
	[tilespmem:s0+$0x75A0] =	vst v1  }
0x36: {  	[tilespmem:s0+$0x7530] =	vst v1  }
0x37: {  	[tilespmem:s0+$0x7540] =	vst v1  }
.Ltmp0:
0x38: {  	[tilespmem:s0+$0x7550] =	vst v1;
	(pc) =	sbr.rel @p2 .LBB2_2-.Ltmp0, $4  }
0x39: {  	[tilespmem:s0+$0x7560] =	vst v1  }
0x3a: {  	[tilespmem:s0+$0x7570] =	vst v1  }
0x3b: {  	[tilespmem:s0+$0x7580] =	vst v1  }
0x3c: {  	[tilespmem:s0+$0x7590] =	vst v1;
	s0 =	sshra.s32 s1, $0x2;
	s1 =	sadd.s32 $0x200, s1  }
0x3d: {  	[tilespmem:s0+$0x75A0] =	vst v1  }
0x3e: {  	[tilespmem:s0+$0x7530] =	vst v1  }
0x3f: {  	[tilespmem:s0+$0x7540] =	vst v1  }
0x40: {  	[tilespmem:s0+$0x7550] =	vst v1  }
0x41: {  	[tilespmem:s0+$0x7560] =	vst v1  }
0x42: {  	[tilespmem:s0+$0x7570] =	vst v1  }
0x43: {  	[tilespmem:s0+$0x7580] =	vst v1  }
0x44: {  	[tilespmem:s0+$0x7590] =	vst v1  }
0x45: {  	_ =	swait.ge [sflag:s18], $0x2710  }
0x46: {  	[sflag:s18] =	ssyncset.done $0x0  }
0x47: {  	[sflag:s18] =	ssyncadd.s32 $0xFFFFD8F0  }
0x48: {  	_ =	swait.ge [sflag:s18], $0x2710  }
0x49: {  	[sflag:s18] =	ssyncset.done $0x0  }
0x4a: {  	s31 =	simm.s32 $0x0;
	[sflag:s18] =	ssyncadd.s32 $0xFFFFD8F0  }
0x4b: {  	v4 =	vld [tilespmem:s31+$0x20]  }
0x4c: {  	v5 =	vld [tilespmem:s31+$0x10]  }
0x4d: {  	v6 =	vld [tilespmem:s31+$0x0]  }
0x4e: {  	v7 =	vld [tilespmem:s31+$0x30]  }
0x4f: {  	v8 =	vld [tilespmem:s31+$0x40]  }
0x50: {  	v9 =	vld [tilespmem:s31+$0x50]  }
0x51: {  	v10 =	vld [tilespmem:s31+$0x60]  }
0x52: {  	v11 =	vld [tilespmem:s31+$0x70]  }
0x53: {  	v12 =	vld [tilespmem:s31+$0x80]  }
0x54: {  	v3 =	vld [tilespmem:s31+$0x90]  }
0x55: {  	[tilespmem:v6+s19+$0x0] =	vst.idx.add.f32.msk $0xffff, v2  }
0x56: {  	[tilespmem:v5+s19+$0x0] =	vst.idx.add.f32.msk $0xffff, v2  }
0x57: {  	[tilespmem:v4+s19+$0x0] =	vst.idx.add.f32.msk $0xffff, v2  }
0x58: {  	[tilespmem:v7+s19+$0x0] =	vst.idx.add.f32.msk $0xffff, v2  }
0x59: {  	[tilespmem:v8+s19+$0x0] =	vst.idx.add.f32.msk $0xffff, v2  }
0x5a: {  	[tilespmem:v9+s19+$0x0] =	vst.idx.add.f32.msk $0xffff, v2  }
0x5b: {  	[tilespmem:v10+s19+$0x0] =	vst.idx.add.f32.msk $0xffff, v2  }
0x5c: {  	[tilespmem:v11+s19+$0x0] =	vst.idx.add.f32.msk $0xffff, v2  }
0x5d: {  	s0 =	simm.s32 $0x280;
	[tilespmem:v12+s19+$0x0] =	vst.idx.add.f32.msk $0xffff, v2  }
.LBB2_4:
0x5e: {  	s1 =	sshra.s32 s0, $0x2;
	p2 =	sne.s32 s0, $0x13600;
	s0 =	sadd.s32 $0x280, s0;
	[tilespmem:v3+s19+$0x0] =	vst.idx.add.f32.msk $0xffff, v2  }
0x5f: {  	v4 =	vld [tilespmem:s1+$0x20]  }
0x60: {  	v5 =	vld [tilespmem:s1+$0x10]  }
0x61: {  	v6 =	vld [tilespmem:s1+$0x0]  }
0x62: {  	v7 =	vld [tilespmem:s1+$0x30]  }
0x63: {  	v8 =	vld [tilespmem:s1+$0x40]  }
0x64: {  	v9 =	vld [tilespmem:s1+$0x50]  }
0x65: {  	v10 =	vld [tilespmem:s1+$0x60]  }
0x66: {  	v11 =	vld [tilespmem:s1+$0x70]  }
0x67: {  	v12 =	vld [tilespmem:s1+$0x80]  }
0x68: {  	v3 =	vld [tilespmem:s1+$0x90]  }
0x69: {  	[tilespmem:v6+s19+$0x0] =	vst.idx.add.f32.msk $0xffff, v2  }
0x6a: {  	[tilespmem:v5+s19+$0x0] =	vst.idx.add.f32.msk $0xffff, v2  }
0x6b: {  	[tilespmem:v4+s19+$0x0] =	vst.idx.add.f32.msk $0xffff, v2  }
0x6c: {  	[tilespmem:v7+s19+$0x0] =	vst.idx.add.f32.msk $0xffff, v2  }
.Ltmp1:
0x6d: {  	[tilespmem:v8+s19+$0x0] =	vst.idx.add.f32.msk $0xffff, v2;
	(pc) =	sbr.rel @p2 .LBB2_4-.Ltmp1, $4  }
0x6e: {  	[tilespmem:v9+s19+$0x0] =	vst.idx.add.f32.msk $0xffff, v2  }
0x6f: {  	[tilespmem:v10+s19+$0x0] =	vst.idx.add.f32.msk $0xffff, v2  }
0x70: {  	[tilespmem:v11+s19+$0x0] =	vst.idx.add.f32.msk $0xffff, v2  }
0x71: {  	[tilespmem:v12+s19+$0x0] =	vst.idx.add.f32.msk $0xffff, v2  }
0x72: {  	_ =	sdelay $0x3  }
0x73: {  	[tilespmem:v3+s19+$0x0] =	vst.idx.add.f32.msk $0xffff, v2  }
0x74: {  	[spmem:s9] =	stream.linear.scatter [tilespmem:s19], [sflag:$0x4], $0x2800, $0x38;
	[tilespmem:$0x11F30] =	vst v63  }
0x75: {  	_ =	swait.ge [sflag:s20], $0x2800  }
0x76: {  	[sflag:s20] =	ssyncset.done $0x0  }
0x77: {  	[sflag:s20] =	ssyncadd.s32 $0xFFFFD800  }
0x78: {  	[bflag:$0x0] =	sbarrier.arrive $0xFFFF  }
0x79: {  	[tilespmem:s23], [sflag:$0x4] =	stream.strided.gather [spmem:s10], $0x2800, s22, s21, $0x38;
	[tilespmem:$0x11F30] =	vst v63  }
0x7a: {  	_ =	swait.ge [sflag:s20], $0x2800  }
0x7b: {  	[sflag:s20] =	ssyncset.done $0x0  }
0x7c: {  	s0 =	simm.s32 $0x0;
	[sflag:s20] =	ssyncadd.s32 $0xFFFFD800  }
0x7d: {  	v3 =	vld [tilespmem:s0+$0xC530];
	_ =	sdelay $0x1  }
0x7e: {  	v4 =	vld [tilespmem:s0+$0xC7B0];
	_ =	sdelay $0x1  }
0x7f: {  	v5 =	vld [tilespmem:s0+$0xCA30]  }
0x80: {  	v3 =	vadd.f32 $1.000000000e+00, v3  }
0x81: {  	v6 =	vld [tilespmem:s0+$0xCCB0]  }
0x82: {  	v3 =	vadd.f32 v4, v3  }
0x83: {  	v4 =	vld [tilespmem:s0+$0xCF30]  }
0x84: {  	v3 =	vadd.f32 v5, v3  }
0x85: {  	v5 =	vld [tilespmem:s0+$0xD1B0]  }
0x86: {  	v3 =	vadd.f32 v6, v3  }
0x87: {  	v6 =	vld [tilespmem:s0+$0xD430]  }
0x88: {  	v3 =	vadd.f32 v4, v3  }
0x89: {  	v4 =	vld [tilespmem:s0+$0xD6B0]  }
0x8a: {  	v3 =	vadd.f32 v5, v3  }
0x8b: {  	s30 =	simm.s32 $0x10;
	v5 =	vld [tilespmem:s0+$0xD930]  }
0x8c: {  	v7 =	vld [tilespmem:s30+$0xC530];
	v3 =	vadd.f32 v6, v3  }
0x8d: {  	v6 =	vld [tilespmem:s0+$0xDBB0]  }
0x8e: {  	v8 =	vld [tilespmem:s30+$0xC7B0];
	v3 =	vadd.f32 v4, v3  }
0x8f: {  	v4 =	vld [tilespmem:s0+$0xDE30]  }
0x90: {  	v9 =	vld [tilespmem:s30+$0xCA30];
	v3 =	vadd.f32 v5, v3  }
0x91: {  	v5 =	vadd.f32 $1.000000000e+00, v7;
	v7 =	vld [tilespmem:s0+$0xE0B0]  }
0x92: {  	v10 =	vld [tilespmem:s30+$0xCCB0];
	v3 =	vadd.f32 v6, v3  }
0x93: {  	v5 =	vadd.f32 v8, v5;
	v6 =	vld [tilespmem:s0+$0xE330]  }
0x94: {  	v8 =	vld [tilespmem:s30+$0xCF30];
	v3 =	vadd.f32 v4, v3  }
0x95: {  	v4 =	vadd.f32 v9, v5;
	v5 =	vld [tilespmem:s0+$0xE5B0]  }
0x96: {  	v9 =	vld [tilespmem:s30+$0xD1B0];
	v3 =	vadd.f32 v7, v3  }
0x97: {  	v4 =	vadd.f32 v10, v4;
	v7 =	vld [tilespmem:s0+$0xE830]  }
0x98: {  	v10 =	vld [tilespmem:s30+$0xD430];
	v3 =	vadd.f32 v6, v3  }
0x99: {  	v4 =	vadd.f32 v8, v4;
	v6 =	vld [tilespmem:s0+$0xEAB0]  }
0x9a: {  	v8 =	vld [tilespmem:s30+$0xD6B0];
	v3 =	vadd.f32 v5, v3  }
0x9b: {  	v4 =	vadd.f32 v9, v4  }
0x9c: {  	s31 =	simm.s32 $0x20;
	v5 =	vld [tilespmem:s30+$0xD930];
	v3 =	vadd.f32 v7, v3  }
0x9d: {  	v7 =	vld [tilespmem:s31+$0xC530];
	v4 =	vadd.f32 v10, v4  }
0x9e: {  	v9 =	vld [tilespmem:s30+$0xDBB0];
	v3 =	vadd.f32 v6, v3  }
0x9f: {  	v6 =	vld [tilespmem:s31+$0xC7B0];
	v4 =	vadd.f32 v8, v4  }
0xa0: {  	v8 =	vld [tilespmem:s30+$0xDE30];
	v10 =	vshra.s32 v3, $0x1;
	v3 =	vmul.f32 $5.000000000e-01, v3  }
0xa1: {  	v11 =	vld [tilespmem:s31+$0xCA30];
	v4 =	vadd.f32 v5, v4;
	v5 =	vsub.s32 $0x5F3759DF, v10  }
0xa2: {  	v7 =	vadd.f32 $1.000000000e+00, v7;
	v10 =	vld [tilespmem:s30+$0xE0B0];
	v12 =	vmul.f32 v5, v3  }
0xa3: {  	v13 =	vld [tilespmem:s31+$0xCCB0];
	v4 =	vadd.f32 v9, v4  }
0xa4: {  	v9 =	vld [tilespmem:s30+$0xE330];
	v6 =	vadd.f32 v6, v7;
	v7 =	vmul.f32 v5, v12  }
0xa5: {  	v12 =	vld [tilespmem:s31+$0xCF30];
	v4 =	vadd.f32 v8, v4  }
0xa6: {  	v8 =	vld [tilespmem:s30+$0xE5B0];
	v6 =	vadd.f32 v11, v6;
	v7 =	vsub.f32 $1.500000000e+00, v7  }
0xa7: {  	v11 =	vld [tilespmem:s31+$0xD1B0];
	v4 =	vadd.f32 v10, v4  }
0xa8: {  	v14 =	vld [tilespmem:s30+$0xE830];
	v6 =	vadd.f32 v13, v6;
	v7 =	vmul.f32 v5, v7  }
0xa9: {  	v5 =	vld [tilespmem:s31+$0xD430];
	v4 =	vadd.f32 v9, v4  }
0xaa: {  	v9 =	vld [tilespmem:s30+$0xEAB0];
	v10 =	vadd.f32 v12, v6;
	v12 =	vmul.f32 v7, v3  }
0xab: {  	v6 =	vld [tilespmem:s31+$0xD6B0];
	v13 =	vadd.f32 v8, v4  }
0xac: {  	v4 =	vld [tilespmem:s0+$0xED30];
	v10 =	vadd.f32 v11, v10;
	v11 =	vmul.f32 v12, v7  }
0xad: {  	s1 =	simm.s32 $0x30;
	s2 =	simm.s32 $0x100;
	v8 =	vld [tilespmem:s31+$0xD930];
	v12 =	vadd.f32 v14, v13  }
.LBB2_6:
0xae: {  	p2 =	sne.s32 s2, $0x9C0;
	v13 =	vld [tilespmem:s1+$0xC530];
	v5 =	vadd.f32 v5, v10;
	v10 =	vsub.f32 $1.500000000e+00, v11  }
0xaf: {  	v11 =	vld [tilespmem:s31+$0xDBB0];
	v9 =	vadd.f32 v9, v12  }
0xb0: {  	v12 =	vld [tilespmem:s1+$0xC7B0];
	v5 =	vadd.f32 v6, v5;
	v6 =	vmul.f32 v10, v7  }
0xb1: {  	v7 =	vld [tilespmem:s31+$0xDE30];
	v10 =	vshra.s32 v9, $0x1;
	v9 =	vmul.f32 $5.000000000e-01, v9  }
0xb2: {  	v14 =	vld [tilespmem:s1+$0xCA30];
	v5 =	vadd.f32 v8, v5;
	v8 =	vsub.s32 $0x5F3759DF, v10;
	v10 =	vmul.f32 v6, v3  }
0xb3: {  	v13 =	vadd.f32 $1.000000000e+00, v13;
	v15 =	vld [tilespmem:s31+$0xE0B0];
	v16 =	vmul.f32 v8, v9;
	v3 =	vmov v9  }
0xb4: {  	v9 =	vld [tilespmem:s1+$0xCCB0];
	v5 =	vadd.f32 v11, v5;
	v10 =	vmul.f32 v10, v6  }
0xb5: {  	v11 =	vadd.f32 v12, v13;
	v12 =	vld [tilespmem:s31+$0xE330];
	v13 =	vmul.f32 v8, v16  }
0xb6: {  	v16 =	vld [tilespmem:s1+$0xCF30];
	v5 =	vadd.f32 v7, v5;
	v7 =	vsub.f32 $1.500000000e+00, v10  }
0xb7: {  	v10 =	vadd.f32 v14, v11;
	v11 =	vld [tilespmem:s31+$0xE5B0];
	v13 =	vsub.f32 $1.500000000e+00, v13  }
0xb8: {  	v14 =	vld [tilespmem:s1+$0xD1B0];
	v15 =	vadd.f32 v15, v5;
	v6 =	vmul.f32 v7, v6  }
0xb9: {  	v9 =	vadd.f32 v9, v10;
	v17 =	vld [tilespmem:s31+$0xE830];
	v7 =	vmul.f32 v8, v13  }
.Ltmp2:
0xba: {  	v5 =	vld [tilespmem:s1+$0xD430];
	v8 =	vadd.f32 v12, v15;
	[tilespmem:s0+$0xEFB0] =	vst v6;
	v4 =	vmul.f32 v6, v4;
	(pc) =	sbr.rel @p2 .LBB2_6-.Ltmp2, $4  }
0xbb: {  	v10 =	vadd.f32 v16, v9;
	v9 =	vld [tilespmem:s31+$0xEAB0];
	v12 =	vmul.f32 v7, v3  }
0xbc: {  	v6 =	vld [tilespmem:s1+$0xD6B0];
	v13 =	vadd.f32 v11, v8;
	[tilespmem:s0+$0xF230] =	vst v4;
	s0 =	smov.u32 s30;
	s30 =	smov.u32 s31;
	s31 =	smov.u32 s1  }
0xbd: {  	v10 =	vadd.f32 v14, v10;
	v11 =	vmul.f32 v12, v7;
	v4 =	vld [tilespmem:s0+$0xED30]  }
0xbe: {  	s1 =	sshra.s32 s2, $0x2;
	s2 =	sadd.s32 $0x40, s2;
	v8 =	vld [tilespmem:s31+$0xD930];
	v12 =	vadd.f32 v17, v13  }
0xbf: {  	v13 =	vld [tilespmem:s1+$0xC530];
	v11 =	vsub.f32 $1.500000000e+00, v11  }
0xc0: {  	v9 =	vadd.f32 v9, v12  }
0xc1: {  	v28 =	vld [tilespmem:s1+$0xC7B0];
	v7 =	vmul.f32 v11, v7  }
0xc2: {  	v14 =	vld [tilespmem:s31+$0xDBB0];
	v15 =	vshra.s32 v9, $0x1;
	v9 =	vmul.f32 $5.000000000e-01, v9  }
0xc3: {  	v16 =	vld [tilespmem:s1+$0xCA30];
	v15 =	vsub.s32 $0x5F3759DF, v15;
	v3 =	vmul.f32 v7, v3  }
0xc4: {  	v29 =	vld [tilespmem:s31+$0xDE30];
	v13 =	vadd.f32 $1.000000000e+00, v13;
	v18 =	vmul.f32 v15, v9  }
0xc5: {  	v19 =	vld [tilespmem:s1+$0xCCB0];
	v3 =	vmul.f32 v3, v7  }
0xc6: {  	v17 =	vld [tilespmem:s31+$0xE0B0];
	v12 =	vadd.f32 v28, v13;
	v30 =	vmul.f32 v15, v18  }
0xc7: {  	v31 =	vld [tilespmem:s1+$0xCF30];
	v5 =	vadd.f32 v5, v10;
	v3 =	vsub.f32 $1.500000000e+00, v3  }
0xc8: {  	v20 =	vld [tilespmem:s31+$0xE330];
	v12 =	vadd.f32 v16, v12;
	v13 =	vsub.f32 $1.500000000e+00, v30  }
0xc9: {  	v33 =	vld [tilespmem:s1+$0xD1B0];
	v5 =	vadd.f32 v6, v5  }
0xca: {  	v32 =	vld [tilespmem:s31+$0xE5B0];
	v3 =	vmul.f32 v3, v7;
	v35 =	vadd.f32 v19, v12;
	v36 =	vmul.f32 v15, v13  }
0xcb: {  	v37 =	vld [tilespmem:s1+$0xD430];
	v5 =	vadd.f32 v8, v5  }
0xcc: {  	v34 =	vld [tilespmem:s31+$0xE830];
	[tilespmem:s0+$0xEFB0] =	vst v3;
	v3 =	vmul.f32 v3, v4;
	v38 =	vadd.f32 v31, v35;
	v40 =	vmul.f32 v36, v9  }
0xcd: {  	v5 =	vadd.f32 v14, v5;
	v41 =	vld [tilespmem:s1+$0xD6B0]  }
0xce: {  	v39 =	vld [tilespmem:s31+$0xEAB0];
	[tilespmem:s0+$0xF230] =	vst v3;
	v3 =	vadd.f32 v33, v38;
	v42 =	vmul.f32 v40, v36  }
0xcf: {  	v5 =	vadd.f32 v29, v5;
	v43 =	vld [tilespmem:s1+$0xD930]  }
0xd0: {  	v3 =	vadd.f32 v37, v3;
	v4 =	vsub.f32 $1.500000000e+00, v42  }
0xd1: {  	v5 =	vadd.f32 v17, v5;
	v44 =	vld [tilespmem:s1+$0xDBB0]  }
0xd2: {  	v3 =	vadd.f32 v41, v3;
	v4 =	vmul.f32 v4, v36  }
0xd3: {  	v5 =	vadd.f32 v20, v5;
	v45 =	vld [tilespmem:s1+$0xDE30]  }
0xd4: {  	v3 =	vadd.f32 v43, v3;
	v46 =	vmul.f32 v4, v9  }
0xd5: {  	v5 =	vadd.f32 v32, v5;
	v47 =	vld [tilespmem:s1+$0xE0B0]  }
0xd6: {  	v3 =	vadd.f32 v44, v3;
	v8 =	vmul.f32 v46, v4  }
0xd7: {  	v48 =	vld [tilespmem:s1+$0xE330];
	v5 =	vadd.f32 v34, v5  }
0xd8: {  	v3 =	vadd.f32 v45, v3;
	v8 =	vsub.f32 $1.500000000e+00, v8  }
0xd9: {  	v49 =	vld [tilespmem:s1+$0xE5B0]  }
0xda: {  	v5 =	vadd.f32 v39, v5;
	v3 =	vadd.f32 v47, v3;
	v4 =	vmul.f32 v8, v4  }
0xdb: {  	v51 =	vld [tilespmem:s1+$0xE830]  }
0xdc: {  	v52 =	vshra.s32 v5, $0x1;
	v5 =	vmul.f32 $5.000000000e-01, v5;
	v3 =	vadd.f32 v48, v3;
	[tilespmem:s30+$0xEFB0] =	vst v4  }
0xdd: {  	v53 =	vsub.s32 $0x5F3759DF, v52;
	v54 =	vld [tilespmem:s1+$0xEAB0]  }
0xde: {  	v55 =	vmul.f32 v53, v5;
	v3 =	vadd.f32 v49, v3;
	_ =	sdelay $0x1  }
0xdf: {  	v9 =	vmul.f32 v53, v55;
	v3 =	vadd.f32 v51, v3;
	_ =	sdelay $0x1  }
0xe0: {  	v56 =	vsub.f32 $1.500000000e+00, v9;
	v3 =	vadd.f32 v54, v3;
	_ =	sdelay $0x1  }
0xe1: {  	v6 =	vmul.f32 v53, v56;
	v57 =	vshra.s32 v3, $0x1;
	v3 =	vmul.f32 $5.000000000e-01, v3  }
0xe2: {  	v7 =	vsub.s32 $0x5F3759DF, v57  }
0xe3: {  	v58 =	vmul.f32 v6, v5;
	v59 =	vmul.f32 v7, v3;
	_ =	sdelay $0x1  }
0xe4: {  	v50 =	vld [tilespmem:s30+$0xED30];
	v8 =	vmul.f32 v58, v6;
	v9 =	vmul.f32 v7, v59;
	_ =	sdelay $0x1  }
0xe5: {  	v8 =	vsub.f32 $1.500000000e+00, v8;
	v9 =	vsub.f32 $1.500000000e+00, v9;
	_ =	sdelay $0x1  }
0xe6: {  	v6 =	vmul.f32 v8, v6;
	v7 =	vmul.f32 v7, v9  }
0xe7: {  	v4 =	vmul.f32 v4, v50  }
0xe8: {  	v5 =	vmul.f32 v6, v5;
	v60 =	vmul.f32 v7, v3;
	_ =	sdelay $0x1  }
0xe9: {  	[tilespmem:s30+$0xF230] =	vst v4;
	v61 =	vmul.f32 v5, v6;
	v62 =	vmul.f32 v60, v7  }
0xea: {  	v63 =	vld [tilespmem:s31+$0xED30]  }
0xeb: {  	v4 =	vsub.f32 $1.500000000e+00, v61;
	v5 =	vsub.f32 $1.500000000e+00, v62;
	_ =	sdelay $0x1  }
0xec: {  	v4 =	vmul.f32 v4, v6;
	v5 =	vmul.f32 v5, v7;
	_ =	sdelay $0x1  }
0xed: {  	v6 =	vmul.f32 v4, v63;
	v3 =	vmul.f32 v5, v3  }
0xee: {  	[tilespmem:s31+$0xEFB0] =	vst v4  }
0xef: {  	[tilespmem:s31+$0xF230] =	vst v6;
	v3 =	vmul.f32 v3, v5  }
0xf0: {  	v4 =	vld [tilespmem:s1+$0xED30]  }
0xf1: {  	v3 =	vsub.f32 $1.500000000e+00, v3;
	_ =	sdelay $0x1  }
0xf2: {  	v3 =	vmul.f32 v3, v5;
	_ =	sdelay $0x1  }
0xf3: {  	v4 =	vmul.f32 v3, v4  }
0xf4: {  	[tilespmem:s1+$0xEFB0] =	vst v3  }
0xf5: {  	[tilespmem:s1+$0xF230] =	vst v4  }
0xf6: {  	[spmem:s11] =	stream.linear.scatter [tilespmem:s24], [sflag:$0x4], $0x280, $0x38;
	[tilespmem:$0x11F30] =	vst v63  }
0xf7: {  	_ =	swait.ge [sflag:s20], $0x280  }
0xf8: {  	[sflag:s20] =	ssyncset.done $0x0  }
0xf9: {  	s0 =	simm.s32 @!p1 $0x0;
	s1 =	simm.s32 @!p1 $0xEFB0;
	[sflag:s20] =	ssyncadd.s32 $0xFFFFFD80  }
0xfa: {  	[hbm4b:s12+s0] =	stream.linear.scatter @!p1 [tilespmem:s1], [sflag:$0x4], $0x280, $0x38;
	[tilespmem:$0x11F30] =	vst v63  }
0xfb: {  	s1 =	simm.s32 @!p1 $0x4  }
0xfc: {  	_ =	swait.ge @!p1 [sflag:s1], $0x280  }
0xfd: {  	[sflag:s1] =	ssyncset.done @!p1 $0x0  }
0xfe: {  	s2 =	simm.s32 @!p1 $0xF230;
	[sflag:s1] =	ssyncadd.s32 @!p1 $0xFFFFFD80  }
0xff: {  	[hbm4b:s13+s0] =	stream.linear.scatter @!p1 [tilespmem:s2], [sflag:$0x4], $0x280, $0x38;
	[tilespmem:$0x11F30] =	vst v63  }
0x100: {  	_ =	swait.ge @!p1 [sflag:s1], $0x280  }
0x101: {  	[sflag:s1] =	ssyncset.done @!p1 $0x0  }
0x102: {  	[sflag:s1] =	ssyncadd.s32 @!p1 $0xFFFFFD80  }
0x103: {  	[bflag:$0x0] =	sbarrier.arrive $0xFFFF  }
0x104: {  	s0 =	simm.s32 $0x0;
	s1 =	simm.s32 $0x200;
	s31 =	rddreg [dreg:$0x3]  }
0x105: {  	[tilespmem:s25], [sflag:$0x3] =	stream.linear.gather [spmem:s31], $0x2800, $0x38;
	[tilespmem:$0x11F30] =	vst v63  }
.LBB2_8:
0x106: {  	p2 =	sne.s32 s1, $0x9E00;
	[tilespmem:s0+$0x75A0] =	vst v1  }
0x107: {  	[tilespmem:s0+$0x7530] =	vst v1  }
0x108: {  	[tilespmem:s0+$0x7540] =	vst v1  }
.Ltmp3:
0x109: {  	[tilespmem:s0+$0x7550] =	vst v1;
	(pc) =	sbr.rel @p2 .LBB2_8-.Ltmp3, $4  }
0x10a: {  	[tilespmem:s0+$0x7560] =	vst v1  }
0x10b: {  	[tilespmem:s0+$0x7570] =	vst v1  }
0x10c: {  	[tilespmem:s0+$0x7580] =	vst v1  }
0x10d: {  	[tilespmem:s0+$0x7590] =	vst v1;
	s0 =	sshra.s32 s1, $0x2;
	s1 =	sadd.s32 $0x200, s1  }
0x10e: {  	[tilespmem:s0+$0x75A0] =	vst v1  }
0x10f: {  	[tilespmem:s0+$0x7530] =	vst v1  }
0x110: {  	[tilespmem:s0+$0x7540] =	vst v1  }
0x111: {  	[tilespmem:s0+$0x7550] =	vst v1  }
0x112: {  	[tilespmem:s0+$0x7560] =	vst v1  }
0x113: {  	[tilespmem:s0+$0x7570] =	vst v1  }
0x114: {  	[tilespmem:s0+$0x7580] =	vst v1  }
0x115: {  	[tilespmem:s0+$0x7590] =	vst v1  }
0x116: {  	_ =	swait.ge [sflag:s26], $0x2800  }
0x117: {  	[sflag:s26] =	ssyncset.done $0x0  }
0x118: {  	[sflag:s26] =	ssyncadd.s32 $0xFFFFD800  }
0x119: {  	_ =	swait.ge [sflag:s28], $0x2710  }
0x11a: {  	[sflag:s28] =	ssyncset.done $0x0  }
0x11b: {  	s31 =	simm.s32 $0x0;
	[sflag:s28] =	ssyncadd.s32 $0xFFFFD8F0  }
0x11c: {  	v4 =	vld [tilespmem:s31+$0x4E40]  }
0x11d: {  	v5 =	vld [tilespmem:s31+$0x4E30]  }
0x11e: {  	v6 =	vld [tilespmem:s31+$0x4E20]  }
0x11f: {  	v7 =	vld [tilespmem:s31+$0x4E50]  }
0x120: {  	v8 =	vld [tilespmem:s31+$0x4E60]  }
0x121: {  	v9 =	vld.idx.msk [tilespmem:v0+s31+$0x0 ss:$0x1], $0xffff  }
0x122: {  	v10 =	vld.idx.msk [tilespmem:v0+s31+$0xFFFFFFE0 ss:$0x1], $0xffff  }
0x123: {  	v11 =	vld.idx.msk [tilespmem:v0+s31+$0xFFFFFFF0 ss:$0x1], $0xffff  }
0x124: {  	v12 =	vld.idx.msk [tilespmem:v0+s31+$0x10 ss:$0x1], $0xffff  }
0x125: {  	v3 =	vld.idx.msk [tilespmem:v0+s31+$0x20 ss:$0x1], $0xffff  }
0x126: {  	v6 =	vld.idx.msk [tilespmem:v6+s25+$0x0], $0xffff  }
0x127: {  	v5 =	vld.idx.msk [tilespmem:v5+s25+$0x0], $0xffff  }
0x128: {  	v13 =	vld.idx.msk [tilespmem:v4+s25+$0x0], $0xffff  }
0x129: {  	v7 =	vld.idx.msk [tilespmem:v7+s25+$0x0], $0xffff  }
0x12a: {  	v4 =	vld.idx.msk [tilespmem:v8+s25+$0x0], $0xffff  }
0x12b: {  	[tilespmem:v10+s19+$0x0] =	vst.idx.add.f32.msk $0xffff, v6  }
0x12c: {  	[tilespmem:v11+s19+$0x0] =	vst.idx.add.f32.msk $0xffff, v5  }
0x12d: {  	[tilespmem:v9+s19+$0x0] =	vst.idx.add.f32.msk $0xffff, v13  }
0x12e: {  	s0 =	simm.s32 $0x140;
	[tilespmem:v12+s19+$0x0] =	vst.idx.add.f32.msk $0xffff, v7  }
.LBB2_10:
0x12f: {  	s1 =	sshra.s32 s0, $0x2;
	p2 =	sne.s32 s0, $0x9B00;
	s0 =	sadd.s32 $0x140, s0;
	[tilespmem:v3+s19+$0x0] =	vst.idx.add.f32.msk $0xffff, v4  }
0x130: {  	v4 =	vld [tilespmem:s1+$0x4E40]  }
0x131: {  	v5 =	vld [tilespmem:s1+$0x4E30]  }
0x132: {  	v6 =	vld [tilespmem:s1+$0x4E20]  }
0x133: {  	v7 =	vld [tilespmem:s1+$0x4E50]  }
0x134: {  	v8 =	vld [tilespmem:s1+$0x4E60]  }
0x135: {  	v9 =	vld.idx.msk [tilespmem:v0+s1+$0x0 ss:$0x1], $0xffff  }
0x136: {  	v10 =	vld.idx.msk [tilespmem:v0+s1+$0xFFFFFFE0 ss:$0x1], $0xffff  }
0x137: {  	v11 =	vld.idx.msk [tilespmem:v0+s1+$0xFFFFFFF0 ss:$0x1], $0xffff  }
0x138: {  	v12 =	vld.idx.msk [tilespmem:v0+s1+$0x10 ss:$0x1], $0xffff  }
0x139: {  	v3 =	vld.idx.msk [tilespmem:v0+s1+$0x20 ss:$0x1], $0xffff  }
0x13a: {  	v6 =	vld.idx.msk [tilespmem:v6+s25+$0x0], $0xffff  }
0x13b: {  	v5 =	vld.idx.msk [tilespmem:v5+s25+$0x0], $0xffff  }
0x13c: {  	v13 =	vld.idx.msk [tilespmem:v4+s25+$0x0], $0xffff  }
0x13d: {  	v7 =	vld.idx.msk [tilespmem:v7+s25+$0x0], $0xffff  }
0x13e: {  	v4 =	vld.idx.msk [tilespmem:v8+s25+$0x0], $0xffff  }
.Ltmp4:
0x13f: {  	(pc) =	sbr.rel @p2 .LBB2_10-.Ltmp4, $4  }
0x140: {  	[tilespmem:v10+s19+$0x0] =	vst.idx.add.f32.msk $0xffff, v6  }
0x141: {  	[tilespmem:v11+s19+$0x0] =	vst.idx.add.f32.msk $0xffff, v5  }
0x142: {  	[tilespmem:v9+s19+$0x0] =	vst.idx.add.f32.msk $0xffff, v13  }
0x143: {  	[tilespmem:v12+s19+$0x0] =	vst.idx.add.f32.msk $0xffff, v7  }
0x144: {  	_ =	sdelay $0x3  }
0x145: {  	[tilespmem:v3+s19+$0x0] =	vst.idx.add.f32.msk $0xffff, v4  }
0x146: {  	[spmem:s9] =	stream.linear.scatter [tilespmem:s19], [sflag:$0x4], $0x2800, $0x38;
	[tilespmem:$0x11F30] =	vst v63  }
0x147: {  	_ =	swait.ge [sflag:s20], $0x2800  }
0x148: {  	[sflag:s20] =	ssyncset.done $0x0  }
0x149: {  	[sflag:s20] =	ssyncadd.s32 $0xFFFFD800  }
0x14a: {  	[bflag:$0x0] =	sbarrier.arrive $0xFFFF  }
0x14b: {  	[tilespmem:s23], [sflag:$0x4] =	stream.strided.gather [spmem:s10], $0x2800, s22, s21, $0x38;
	[tilespmem:$0x11F30] =	vst v63  }
0x14c: {  	_ =	swait.ge [sflag:s20], $0x2800  }
0x14d: {  	[sflag:s20] =	ssyncset.done $0x0  }
0x14e: {  	s1 =	simm.s32 $0x0;
	[sflag:s20] =	ssyncadd.s32 $0xFFFFD800  }
0x14f: {  	v3 =	vld [tilespmem:s1+$0xC530];
	_ =	sdelay $0x1  }
0x150: {  	v4 =	vld [tilespmem:s1+$0xC7B0];
	_ =	sdelay $0x1  }
0x151: {  	v5 =	vld [tilespmem:s1+$0xCA30]  }
0x152: {  	v3 =	vadd.f32 $0.0e+00, v3  }
0x153: {  	v6 =	vld [tilespmem:s1+$0xCCB0]  }
0x154: {  	v3 =	vadd.f32 v4, v3  }
0x155: {  	v4 =	vld [tilespmem:s1+$0xCF30]  }
0x156: {  	v3 =	vadd.f32 v5, v3  }
0x157: {  	v5 =	vld [tilespmem:s1+$0xD1B0]  }
0x158: {  	v3 =	vadd.f32 v6, v3  }
0x159: {  	v6 =	vld [tilespmem:s1+$0xD430]  }
0x15a: {  	v3 =	vadd.f32 v4, v3  }
0x15b: {  	s0 =	simm.s32 $0x10;
	v4 =	vld [tilespmem:s1+$0xD6B0]  }
0x15c: {  	v7 =	vld [tilespmem:s0+$0xC530];
	v3 =	vadd.f32 v5, v3  }
0x15d: {  	v5 =	vld [tilespmem:s1+$0xD930]  }
0x15e: {  	v8 =	vld [tilespmem:s0+$0xC7B0];
	v3 =	vadd.f32 v6, v3  }
0x15f: {  	v6 =	vld [tilespmem:s1+$0xDBB0]  }
0x160: {  	v9 =	vld [tilespmem:s0+$0xCA30];
	v3 =	vadd.f32 v4, v3  }
0x161: {  	v4 =	vld [tilespmem:s1+$0xDE30]  }
0x162: {  	v10 =	vld [tilespmem:s0+$0xCCB0];
	v7 =	vadd.f32 $0.0e+00, v7;
	v3 =	vadd.f32 v5, v3  }
0x163: {  	v5 =	vld [tilespmem:s1+$0xE0B0]  }
0x164: {  	v11 =	vld [tilespmem:s0+$0xCF30];
	v7 =	vadd.f32 v8, v7;
	v3 =	vadd.f32 v6, v3  }
0x165: {  	v8 =	vld [tilespmem:s1+$0xE330]  }
0x166: {  	v12 =	vld [tilespmem:s0+$0xD1B0];
	v6 =	vadd.f32 v9, v7;
	v3 =	vadd.f32 v4, v3  }
0x167: {  	v9 =	vld [tilespmem:s1+$0xE5B0]  }
0x168: {  	v4 =	vadd.f32 v10, v6;
	v6 =	vld [tilespmem:s0+$0xD430];
	v5 =	vadd.f32 v5, v3  }
0x169: {  	v3 =	vld [tilespmem:s1+$0xE830]  }
0x16a: {  	v7 =	vld [tilespmem:s0+$0xD6B0];
	v10 =	vadd.f32 v11, v4;
	v11 =	vadd.f32 v8, v5  }
0x16b: {  	v4 =	vld [tilespmem:s1+$0xEAB0]  }
0x16c: {  	s30 =	simm.s32 $0x20;
	s2 =	simm.s32 $0xC0;
	v8 =	vadd.f32 v12, v10;
	v5 =	vld [tilespmem:s0+$0xD930];
	v9 =	vadd.f32 v9, v11  }
.LBB2_12:
0x16d: {  	p2 =	sne.s32 s2, $0x9C0;
	v10 =	vld [tilespmem:s30+$0xC530]  }
0x16e: {  	v6 =	vadd.f32 v6, v8;
	v8 =	vld [tilespmem:s0+$0xDBB0];
	v3 =	vadd.f32 v3, v9  }
0x16f: {  	v9 =	vld [tilespmem:s30+$0xC7B0]  }
0x170: {  	v6 =	vadd.f32 v7, v6;
	v7 =	vld [tilespmem:s0+$0xDE30];
	v3 =	vadd.f32 v4, v3  }
0x171: {  	v4 =	vld [tilespmem:s30+$0xCA30]  }
0x172: {  	v10 =	vadd.f32 $0.0e+00, v10;
	v5 =	vadd.f32 v5, v6;
	v6 =	vld [tilespmem:s0+$0xE0B0];
	[tilespmem:s1+$0xF230] =	vst v3;
	s1 =	smov.u32 s0;
	s0 =	smov.u32 s30  }
0x173: {  	v3 =	vld [tilespmem:s0+$0xCCB0]  }
0x174: {  	v9 =	vadd.f32 v9, v10;
	v5 =	vadd.f32 v8, v5;
	v8 =	vld [tilespmem:s1+$0xE330]  }
0x175: {  	v10 =	vld [tilespmem:s0+$0xCF30]  }
0x176: {  	v4 =	vadd.f32 v4, v9;
	v5 =	vadd.f32 v7, v5;
	v9 =	vld [tilespmem:s1+$0xE5B0]  }
0x177: {  	v11 =	vld [tilespmem:s0+$0xD1B0]  }
.Ltmp5:
0x178: {  	v4 =	vadd.f32 v3, v4;
	v5 =	vadd.f32 v6, v5;
	v3 =	vld [tilespmem:s1+$0xE830];
	(pc) =	sbr.rel @p2 .LBB2_12-.Ltmp5, $4  }
0x179: {  	v6 =	vld [tilespmem:s0+$0xD430]  }
0x17a: {  	v10 =	vadd.f32 v10, v4;
	v12 =	vadd.f32 v8, v5;
	v4 =	vld [tilespmem:s1+$0xEAB0]  }
0x17b: {  	v7 =	vld [tilespmem:s0+$0xD6B0]  }
0x17c: {  	s30 =	sshra.s32 s2, $0x2;
	s2 =	sadd.s32 $0x40, s2;
	v8 =	vadd.f32 v11, v10;
	v5 =	vld [tilespmem:s0+$0xD930];
	v9 =	vadd.f32 v9, v12  }
0x17d: {  	v10 =	vld [tilespmem:s30+$0xC530]  }
0x17e: {  	v11 =	vld [tilespmem:s0+$0xDBB0];
	v3 =	vadd.f32 v3, v9  }
0x17f: {  	v44 =	vld [tilespmem:s30+$0xC7B0]  }
0x180: {  	v12 =	vld [tilespmem:s0+$0xDE30];
	v6 =	vadd.f32 v6, v8;
	v3 =	vadd.f32 v4, v3  }
0x181: {  	v45 =	vld [tilespmem:s30+$0xCA30]  }
0x182: {  	v46 =	vld [tilespmem:s0+$0xE0B0];
	v6 =	vadd.f32 v7, v6;
	v47 =	vadd.f32 $0.0e+00, v10;
	[tilespmem:s1+$0xF230] =	vst v3  }
0x183: {  	v3 =	vld [tilespmem:s30+$0xCCB0]  }
0x184: {  	v5 =	vadd.f32 v5, v6;
	v48 =	vadd.f32 v44, v47  }
0x185: {  	v49 =	vld [tilespmem:s30+$0xCF30]  }
0x186: {  	v50 =	vld [tilespmem:s0+$0xE330];
	v5 =	vadd.f32 v11, v5;
	v4 =	vadd.f32 v45, v48  }
0x187: {  	v51 =	vld [tilespmem:s30+$0xD1B0]  }
0x188: {  	v52 =	vld [tilespmem:s0+$0xE5B0];
	v5 =	vadd.f32 v12, v5;
	v3 =	vadd.f32 v3, v4  }
0x189: {  	v53 =	vld [tilespmem:s30+$0xD430]  }
0x18a: {  	v54 =	vld [tilespmem:s0+$0xE830];
	v5 =	vadd.f32 v46, v5;
	v3 =	vadd.f32 v49, v3  }
0x18b: {  	v55 =	vld [tilespmem:s30+$0xD6B0]  }
0x18c: {  	v56 =	vld [tilespmem:s0+$0xEAB0];
	v5 =	vadd.f32 v50, v5;
	v3 =	vadd.f32 v51, v3  }
0x18d: {  	v57 =	vld [tilespmem:s30+$0xD930]  }
0x18e: {  	v5 =	vadd.f32 v52, v5;
	v3 =	vadd.f32 v53, v3  }
0x18f: {  	v58 =	vld [tilespmem:s30+$0xDBB0]  }
0x190: {  	v5 =	vadd.f32 v54, v5;
	v3 =	vadd.f32 v55, v3  }
0x191: {  	v59 =	vld [tilespmem:s30+$0xDE30]  }
0x192: {  	v5 =	vadd.f32 v56, v5;
	v3 =	vadd.f32 v57, v3  }
0x193: {  	v60 =	vld [tilespmem:s30+$0xE0B0]  }
0x194: {  	[tilespmem:s0+$0xF230] =	vst v5;
	v3 =	vadd.f32 v58, v3  }
0x195: {  	v61 =	vld [tilespmem:s30+$0xE330]  }
0x196: {  	v3 =	vadd.f32 v59, v3  }
0x197: {  	v5 =	vld [tilespmem:s30+$0xE5B0]  }
0x198: {  	v3 =	vadd.f32 v60, v3  }
0x199: {  	v62 =	vld [tilespmem:s30+$0xE830]  }
0x19a: {  	v3 =	vadd.f32 v61, v3  }
0x19b: {  	v63 =	vld [tilespmem:s30+$0xEAB0]  }
0x19c: {  	v3 =	vadd.f32 v5, v3;
	_ =	sdelay $0x1  }
0x19d: {  	v3 =	vadd.f32 v62, v3;
	_ =	sdelay $0x1  }
0x19e: {  	s29 =	sadd.s32 $0x1, s29;
	v3 =	vadd.f32 v63, v3  }
0x19f: {  	p2 =	sne.s32 s29, s14  }
.Ltmp6:
0x1a0: {  	[tilespmem:s30+$0xF230] =	vst v3;
	(pc) =	sbr.rel @p2 .LBB2_1-.Ltmp6, $4  }
0x1a1: {  	[hbm4b:s15+s3] =	stream.linear.scatter [tilespmem:s24], [sflag:$0x4], $0x280, $0x38;
	[tilespmem:$0x11F30] =	vst v63  }
0x1a2: {  	_ =	swait.ge [sflag:s20], $0x280  }
0x1a3: {  	[sflag:s20] =	ssyncset.done $0x0  }
0x1a4: {  	[sflag:s20] =	ssyncadd.s32 $0xFFFFFD80  }
0x1a5: {  	_ =	sfence.sel $0x180000  }
0x1a6: {  	[bflag:$0x0] =	sbarrier.arrive $0xFFFF  }
0x1a7: {  	_ =	strace $0x90000047  }
0x1a8: {  	s0 =	stileid.u32;
	[bflag:$0x2] =	sbarrier.arrive $0xFFFF  }
0x1a9: {  	p0 =	sne.s32 s0, $0x0;
	s0 =	rddreg [dreg:$0x4]  }
0x1aa: {  	s0 =	sadd.s32 @!p0 $0x100000, s0  }
0x1ab: {  	[sflag:s0] =	ssyncadd.tile.s32 @!p0 $0x1;
	_ =	shalt  }
.Lfunc_end2:
_tile_overlayer_lowered:
.L_overlay_start_2:
0x1ac: {  	(tag) =	ssettag $0x2  }
0x1ad: {  	s0 =	rddreg [dreg:$0x0];
	s2 =	stileid.u32  }
0x1ae: {  	s1 =	rddreg [dreg:$0x1];
	p0 =	sne.s32 s2, $0x0  }
0x1af: {  	s3 =	rddreg [dreg:$0x2];
	[bflag:$0x3] =	sbarrier.arrive $0xFFFF;
	s2 =	simm.s32 @!p0 $0x1C04  }
0x1b0: {  	[timem:s3], [sflag:s2] =	dma.local @!p0 [hbm:s0], s1  }
0x1b1: {  	s0 =	simm.s32 @!p0 $0x4  }
0x1b2: {  	_ =	swait.ge @!p0 [sflag:s0], s1  }
0x1b3: {  	s1 =	ssub.s32 @!p0 $0x0, s1;
	[sflag:s0] =	ssyncset.done @!p0 $0x0  }
0x1b4: {  	[sflag:s0] =	ssyncadd.s32 @!p0 s1  }
0x1b5: {  	[bflag:$0x3] =	sbarrier.arrive $0xFFFF  }
0x1b6: {  	_ =	shalt  }

</sc_bundles>
